<compile_context>
chip_gen: v7x
topology: tpu7x:2x2x1
jax: 0.10.2.dev20260603
libtpu: 0.0.44.dev20260713+nightly
codegen_flags: <defaults>
</compile_context>

<pallas_src>
import functools

import jax
import jax.numpy as jnp
from jax import lax
from jax.experimental import pallas as pl
from jax.experimental.pallas import tpu as pltpu
from jax.experimental.pallas import tpu_sc as plsc

NUM_EMBEDDINGS = 1000000
EMBED_DIM = 32
BATCH = 16384
HIST = 50

LANE = 128
TOTAL = BATCH * HIST
NROWS = TOTAL // LANE
NW = 32
ROWS_PER_W = NROWS // NW
KK = 25
NGRP = ROWS_PER_W // KK


def _build_kernel():
    mesh = plsc.VectorSubcoreMesh(core_axis_name="c", subcore_axis_name="s")

    @functools.partial(
        pl.kernel,
        mesh=mesh,
        out_type=jax.ShapeDtypeStruct((NROWS, LANE, EMBED_DIM), jnp.float32),
        scratch_types=[
            pltpu.VMEM((ROWS_PER_W, LANE), jnp.int32),
            pltpu.VMEM((KK, LANE, EMBED_DIM), jnp.float32),
            pltpu.SemaphoreType.DMA,
        ],
        compiler_params=pltpu.CompilerParams(use_tc_tiling_on_sc=False),
    )
    def gather_kernel(idx_hbm, table_hbm, out_hbm, idx_v, rows_v, gsem):
        wid = lax.axis_index("s") * 2 + lax.axis_index("c")
        base = wid * ROWS_PER_W
        pltpu.sync_copy(idx_hbm.at[pl.ds(base, ROWS_PER_W)], idx_v)

        def step(g, carry):
            for j in range(KK):
                pltpu.async_copy(
                    table_hbm.at[idx_v.at[g * KK + j]], rows_v.at[j], gsem
                )
            for j in range(KK):
                pltpu.make_async_copy(
                    table_hbm.at[idx_v.at[j]], rows_v.at[j], gsem
                ).wait()
            pltpu.sync_copy(rows_v, out_hbm.at[pl.ds(base + g * KK, KK)])
            return carry

        lax.fori_loop(0, NGRP, step, 0)

    return gather_kernel


_gather = _build_kernel()


@jax.jit
def kernel(inputs, embedding):
    idx = inputs.astype(jnp.int32).reshape(NROWS, LANE)
    out = _gather(idx, embedding)
    return out.reshape(BATCH, HIST, EMBED_DIM)

# --- scband reference (transcript-rebuilt; emitter-appended) ---
"""Pipeline reference for scband-embed-46626164965760 (READ-ONLY COPY).

The authoritative reference and input builder live on the scoring server;
editing this copy changes nothing except your own understanding.
"""

import jax, jax.numpy as jnp
import numpy as np

NUM_EMBEDDINGS = 1000000
EMBED_DIM = 32
BATCH = 16384
HIST = 50

def setup_inputs(seed: int = 0) -> dict:
    key = jax.random.key(seed)
    k_idx, k_emb = jax.random.split(key)
    inputs = jax.random.randint(k_idx, (BATCH, HIST), 0, NUM_EMBEDDINGS, dtype=jnp.int64 if jax.config.jax_enable_x64 else jnp.int32)
    # variance_scaling(1.0, 'fan_in', 'normal', out_axis=0): fan_in = EMBED_DIM (in axis is axis 1 when out_axis=0)
    std = 1.0 / np.sqrt(EMBED_DIM)
    embedding = jax.random.normal(k_emb, (NUM_EMBEDDINGS, EMBED_DIM), dtype=jnp.float32) * std
    return {"inputs": inputs, "embedding": embedding}

def reference(inputs, embedding):
    return jnp.take(embedding, inputs, axis=0)

if __name__ == "__main__":
    import jax
    _d = setup_inputs()
    print(jax.jit(kernel)(*tuple(_d.values())))

</pallas_src>

<mosaic_0001>
#map = affine_map<(d0, d1) -> (0, 0)>
#map1 = affine_map<(d0, d1) -> (0, 0, 0)>
module attributes {stable_mosaic.version = 14 : i64} {
  func.func @gather_kernel(%arg0: i32, %arg1: i32, %arg2: memref<6400x128xi32, #tpu.memory_space<hbm>>, %arg3: memref<1000000x32xf32, #tpu.memory_space<hbm>>, %arg4: memref<6400x128x32xf32, #tpu.memory_space<hbm>>, %arg5: memref<200x128xi32, #tpu.memory_space<vmem>>, %arg6: memref<25x128x32xf32, #tpu.memory_space<vmem>>, %arg7: memref<!tpu.dma_semaphore, #tpu.memory_space<semaphore_mem>>) attributes {dimension_semantics = [#tpu.dimension_semantics<core_parallel>, #tpu.dimension_semantics<subcore_parallel>], iteration_bounds = array<i64: 2, 16>, scalar_prefetch = 0 : i64, scratch_operands = 3 : i64, tpu.core_type = #tpu.core_type<sc_vector_subcore>, window_params = [{transform_indices = #map}, {transform_indices = #map}, {transform_indices = #map1}]} {
    %mul3A = arith.constant 2 : i32
    %mul3A_0 = arith.muli %arg1, %mul3A : i32
    %add3A = arith.addi %mul3A_0, %arg0 : i32
    %mul3A_1 = arith.constant 200 : i32
    %mul3A_2 = arith.muli %add3A, %mul3A_1 : i32
    "tpu.region"() ({
      %run_scoped3A = tpu.sem_alloc : memref<!tpu.dma_semaphore, #tpu.memory_space<semaphore_mem>>
      %dma_start3A = arith.constant 0 : i32
      %dma_start3A_8 = tpu.memref_slice %arg2[%mul3A_2, %dma_start3A] : memref<6400x128xi32, #tpu.memory_space<hbm>> -> memref<200x128xi32, #tpu.memory_space<hbm>>
      %dma_start3A_9 = arith.constant 0 : i32
      %dma_start3A_10 = tpu.memref_slice %arg2[%mul3A_2, %dma_start3A_9] : memref<6400x128xi32, #tpu.memory_space<hbm>> -> memref<200x128xi32, #tpu.memory_space<hbm>>
      tpu.enqueue_dma source(%dma_start3A_10 : memref<200x128xi32, #tpu.memory_space<hbm>>) target(%arg5 : memref<200x128xi32, #tpu.memory_space<vmem>>) target_semaphore(%run_scoped3A : memref<!tpu.dma_semaphore, #tpu.memory_space<semaphore_mem>>)
      %dma_wait3A = arith.constant 0 : i32
      %dma_wait3A_11 = tpu.memref_slice %arg2[%mul3A_2, %dma_wait3A] : memref<6400x128xi32, #tpu.memory_space<hbm>> -> memref<200x128xi32, #tpu.memory_space<hbm>>
      %dma_wait3A_12 = arith.constant 0 : i32
      %dma_wait3A_13 = tpu.memref_slice %arg2[%mul3A_2, %dma_wait3A_12] : memref<6400x128xi32, #tpu.memory_space<hbm>> -> memref<200x128xi32, #tpu.memory_space<hbm>>
      tpu.wait_dma2 semaphore(%run_scoped3A : memref<!tpu.dma_semaphore, #tpu.memory_space<semaphore_mem>>) src(%dma_wait3A_13 : memref<200x128xi32, #tpu.memory_space<hbm>>) dst(%arg5 : memref<200x128xi32, #tpu.memory_space<vmem>>)
      tpu.yield
    }) : () -> ()
    %scan3A = arith.constant 0 : i32
    %scan3A_3 = arith.constant 0 : i32
    %scan3A_4 = arith.constant 8 : i32
    %scan3A_5 = arith.addi %scan3A_3, %scan3A_4 : i32
    %scan3A_6 = arith.constant 1 : i32
    scf.for %scan3A_8 = %scan3A_3 to %scan3A_5 step %scan3A_6  : i32 {
      %mul3A_9 = arith.constant 25 : i32
      %mul3A_10 = arith.muli %scan3A_8, %mul3A_9 : i32
      %add3A_11 = arith.constant 0 : i32
      %add3A_12 = arith.addi %mul3A_10, %add3A_11 : i32
      %dma_start3A = arith.constant 0 : i32
      %dma_start3A_13 = arith.constant 0 : i32
      %dma_start3A_14 = arith.constant 0 : i32
      %dma_start3A_15 = tpu.memref_slice %arg6[%dma_start3A, %dma_start3A_13, %dma_start3A_14] : memref<25x128x32xf32, #tpu.memory_space<vmem>> -> memref<1x128x32xf32, #tpu.memory_space<vmem>>
      %dma_start3A_16 = tpu.memref_squeeze %dma_start3A_15 : memref<1x128x32xf32, #tpu.memory_space<vmem>> -> memref<128x32xf32, #tpu.memory_space<vmem>>
      %dma_start3A_17 = arith.constant 0 : i32
      %dma_start3A_18 = tpu.memref_slice %arg5[%add3A_12, %dma_start3A_17] : memref<200x128xi32, #tpu.memory_space<vmem>> -> memref<1x128xi32, #tpu.memory_space<vmem>>
      %dma_start3A_19 = tpu.memref_squeeze %dma_start3A_18 : memref<1x128xi32, #tpu.memory_space<vmem>> -> memref<128xi32, #tpu.memory_space<vmem>>
      %dma_start3A_20 = arith.constant 0 : i32
      %dma_start3A_21 = arith.constant 0 : i32
      %dma_start3A_22 = tpu.memref_slice %arg3[%dma_start3A_20, %dma_start3A_21] : memref<1000000x32xf32, #tpu.memory_space<hbm>> -> memref<1000000x32xf32, #tpu.memory_space<hbm>>
      tpu.enqueue_indirect_dma source(%dma_start3A_22 : memref<1000000x32xf32, #tpu.memory_space<hbm>>) target(%dma_start3A_16 : memref<128x32xf32, #tpu.memory_space<vmem>>) offsets(%dma_start3A_19 : memref<128xi32, #tpu.memory_space<vmem>>) semaphore(%arg7 : memref<!tpu.dma_semaphore, #tpu.memory_space<semaphore_mem>>)
      %mul3A_23 = arith.constant 25 : i32
      %mul3A_24 = arith.muli %scan3A_8, %mul3A_23 : i32
      %add3A_25 = arith.constant 1 : i32
      %add3A_26 = arith.addi %mul3A_24, %add3A_25 : i32
      %dma_start3A_27 = arith.constant 1 : i32
      %dma_start3A_28 = arith.constant 0 : i32
      %dma_start3A_29 = arith.constant 0 : i32
      %dma_start3A_30 = tpu.memref_slice %arg6[%dma_start3A_27, %dma_start3A_28, %dma_start3A_29] : memref<25x128x32xf32, #tpu.memory_space<vmem>> -> memref<1x128x32xf32, #tpu.memory_space<vmem>>
      %dma_start3A_31 = tpu.memref_squeeze %dma_start3A_30 : memref<1x128x32xf32, #tpu.memory_space<vmem>> -> memref<128x32xf32, #tpu.memory_space<vmem>>
      %dma_start3A_32 = arith.constant 0 : i32
      %dma_start3A_33 = tpu.memref_slice %arg5[%add3A_26, %dma_start3A_32] : memref<200x128xi32, #tpu.memory_space<vmem>> -> memref<1x128xi32, #tpu.memory_space<vmem>>
      %dma_start3A_34 = tpu.memref_squeeze %dma_start3A_33 : memref<1x128xi32, #tpu.memory_space<vmem>> -> memref<128xi32, #tpu.memory_space<vmem>>
      %dma_start3A_35 = arith.constant 0 : i32
      %dma_start3A_36 = arith.constant 0 : i32
      %dma_start3A_37 = tpu.memref_slice %arg3[%dma_start3A_35, %dma_start3A_36] : memref<1000000x32xf32, #tpu.memory_space<hbm>> -> memref<1000000x32xf32, #tpu.memory_space<hbm>>
      tpu.enqueue_indirect_dma source(%dma_start3A_37 : memref<1000000x32xf32, #tpu.memory_space<hbm>>) target(%dma_start3A_31 : memref<128x32xf32, #tpu.memory_space<vmem>>) offsets(%dma_start3A_34 : memref<128xi32, #tpu.memory_space<vmem>>) semaphore(%arg7 : memref<!tpu.dma_semaphore, #tpu.memory_space<semaphore_mem>>)
      %mul3A_38 = arith.constant 25 : i32
      %mul3A_39 = arith.muli %scan3A_8, %mul3A_38 : i32
      %add3A_40 = arith.constant 2 : i32
      %add3A_41 = arith.addi %mul3A_39, %add3A_40 : i32
      %dma_start3A_42 = arith.constant 2 : i32
      %dma_start3A_43 = arith.constant 0 : i32
      %dma_start3A_44 = arith.constant 0 : i32
      %dma_start3A_45 = tpu.memref_slice %arg6[%dma_start3A_42, %dma_start3A_43, %dma_start3A_44] : memref<25x128x32xf32, #tpu.memory_space<vmem>> -> memref<1x128x32xf32, #tpu.memory_space<vmem>>
      %dma_start3A_46 = tpu.memref_squeeze %dma_start3A_45 : memref<1x128x32xf32, #tpu.memory_space<vmem>> -> memref<128x32xf32, #tpu.memory_space<vmem>>
      %dma_start3A_47 = arith.constant 0 : i32
      %dma_start3A_48 = tpu.memref_slice %arg5[%add3A_41, %dma_start3A_47] : memref<200x128xi32, #tpu.memory_space<vmem>> -> memref<1x128xi32, #tpu.memory_space<vmem>>
      %dma_start3A_49 = tpu.memref_squeeze %dma_start3A_48 : memref<1x128xi32, #tpu.memory_space<vmem>> -> memref<128xi32, #tpu.memory_space<vmem>>
      %dma_start3A_50 = arith.constant 0 : i32
      %dma_start3A_51 = arith.constant 0 : i32
      %dma_start3A_52 = tpu.memref_slice %arg3[%dma_start3A_50, %dma_start3A_51] : memref<1000000x32xf32, #tpu.memory_space<hbm>> -> memref<1000000x32xf32, #tpu.memory_space<hbm>>
      tpu.enqueue_indirect_dma source(%dma_start3A_52 : memref<1000000x32xf32, #tpu.memory_space<hbm>>) target(%dma_start3A_46 : memref<128x32xf32, #tpu.memory_space<vmem>>) offsets(%dma_start3A_49 : memref<128xi32, #tpu.memory_space<vmem>>) semaphore(%arg7 : memref<!tpu.dma_semaphore, #tpu.memory_space<semaphore_mem>>)
      %mul3A_53 = arith.constant 25 : i32
      %mul3A_54 = arith.muli %scan3A_8, %mul3A_53 : i32
      %add3A_55 = arith.constant 3 : i32
      %add3A_56 = arith.addi %mul3A_54, %add3A_55 : i32
      %dma_start3A_57 = arith.constant 3 : i32
      %dma_start3A_58 = arith.constant 0 : i32
      %dma_start3A_59 = arith.constant 0 : i32
      %dma_start3A_60 = tpu.memref_slice %arg6[%dma_start3A_57, %dma_start3A_58, %dma_start3A_59] : memref<25x128x32xf32, #tpu.memory_space<vmem>> -> memref<1x128x32xf32, #tpu.memory_space<vmem>>
      %dma_start3A_61 = tpu.memref_squeeze %dma_start3A_60 : memref<1x128x32xf32, #tpu.memory_space<vmem>> -> memref<128x32xf32, #tpu.memory_space<vmem>>
      %dma_start3A_62 = arith.constant 0 : i32
      %dma_start3A_63 = tpu.memref_slice %arg5[%add3A_56, %dma_start3A_62] : memref<200x128xi32, #tpu.memory_space<vmem>> -> memref<1x128xi32, #tpu.memory_space<vmem>>
      %dma_start3A_64 = tpu.memref_squeeze %dma_start3A_63 : memref<1x128xi32, #tpu.memory_space<vmem>> -> memref<128xi32, #tpu.memory_space<vmem>>
      %dma_start3A_65 = arith.constant 0 : i32
      %dma_start3A_66 = arith.constant 0 : i32
      %dma_start3A_67 = tpu.memref_slice %arg3[%dma_start3A_65, %dma_start3A_66] : memref<1000000x32xf32, #tpu.memory_space<hbm>> -> memref<1000000x32xf32, #tpu.memory_space<hbm>>
      tpu.enqueue_indirect_dma source(%dma_start3A_67 : memref<1000000x32xf32, #tpu.memory_space<hbm>>) target(%dma_start3A_61 : memref<128x32xf32, #tpu.memory_space<vmem>>) offsets(%dma_start3A_64 : memref<128xi32, #tpu.memory_space<vmem>>) semaphore(%arg7 : memref<!tpu.dma_semaphore, #tpu.memory_space<semaphore_mem>>)
      %mul3A_68 = arith.constant 25 : i32
      %mul3A_69 = arith.muli %scan3A_8, %mul3A_68 : i32
      %add3A_70 = arith.constant 4 : i32
      %add3A_71 = arith.addi %mul3A_69, %add3A_70 : i32
      %dma_start3A_72 = arith.constant 4 : i32
      %dma_start3A_73 = arith.constant 0 : i32
      %dma_start3A_74 = arith.constant 0 : i32
      %dma_start3A_75 = tpu.memref_slice %arg6[%dma_start3A_72, %dma_start3A_73, %dma_start3A_74] : memref<25x128x32xf32, #tpu.memory_space<vmem>> -> memref<1x128x32xf32, #tpu.memory_space<vmem>>
      %dma_start3A_76 = tpu.memref_squeeze %dma_start3A_75 : memref<1x128x32xf32, #tpu.memory_space<vmem>> -> memref<128x32xf32, #tpu.memory_space<vmem>>
      %dma_start3A_77 = arith.constant 0 : i32
      %dma_start3A_78 = tpu.memref_slice %arg5[%add3A_71, %dma_start3A_77] : memref<200x128xi32, #tpu.memory_space<vmem>> -> memref<1x128xi32, #tpu.memory_space<vmem>>
      %dma_start3A_79 = tpu.memref_squeeze %dma_start3A_78 : memref<1x128xi32, #tpu.memory_space<vmem>> -> memref<128xi32, #tpu.memory_space<vmem>>
      %dma_start3A_80 = arith.constant 0 : i32
      %dma_start3A_81 = arith.constant 0 : i32
      %dma_start3A_82 = tpu.memref_slice %arg3[%dma_start3A_80, %dma_start3A_81] : memref<1000000x32xf32, #tpu.memory_space<hbm>> -> memref<1000000x32xf32, #tpu.memory_space<hbm>>
      tpu.enqueue_indirect_dma source(%dma_start3A_82 : memref<1000000x32xf32, #tpu.memory_space<hbm>>) target(%dma_start3A_76 : memref<128x32xf32, #tpu.memory_space<vmem>>) offsets(%dma_start3A_79 : memref<128xi32, #tpu.memory_space<vmem>>) semaphore(%arg7 : memref<!tpu.dma_semaphore, #tpu.memory_space<semaphore_mem>>)
      %mul3A_83 = arith.constant 25 : i32
      %mul3A_84 = arith.muli %scan3A_8, %mul3A_83 : i32
      %add3A_85 = arith.constant 5 : i32
      %add3A_86 = arith.addi %mul3A_84, %add3A_85 : i32
      %dma_start3A_87 = arith.constant 5 : i32
      %dma_start3A_88 = arith.constant 0 : i32
      %dma_start3A_89 = arith.constant 0 : i32
      %dma_start3A_90 = tpu.memref_slice %arg6[%dma_start3A_87, %dma_start3A_88, %dma_start3A_89] : memref<25x128x32xf32, #tpu.memory_space<vmem>> -> memref<1x128x32xf32, #tpu.memory_space<vmem>>
      %dma_start3A_91 = tpu.memref_squeeze %dma_start3A_90 : memref<1x128x32xf32, #tpu.memory_space<vmem>> -> memref<128x32xf32, #tpu.memory_space<vmem>>
      %dma_start3A_92 = arith.constant 0 : i32
      %dma_start3A_93 = tpu.memref_slice %arg5[%add3A_86, %dma_start3A_92] : memref<200x128xi32, #tpu.memory_space<vmem>> -> memref<1x128xi32, #tpu.memory_space<vmem>>
      %dma_start3A_94 = tpu.memref_squeeze %dma_start3A_93 : memref<1x128xi32, #tpu.memory_space<vmem>> -> memref<128xi32, #tpu.memory_space<vmem>>
      %dma_start3A_95 = arith.constant 0 : i32
      %dma_start3A_96 = arith.constant 0 : i32
      %dma_start3A_97 = tpu.memref_slice %arg3[%dma_start3A_95, %dma_start3A_96] : memref<1000000x32xf32, #tpu.memory_space<hbm>> -> memref<1000000x32xf32, #tpu.memory_space<hbm>>
      tpu.enqueue_indirect_dma source(%dma_start3A_97 : memref<1000000x32xf32, #tpu.memory_space<hbm>>) target(%dma_start3A_91 : memref<128x32xf32, #tpu.memory_space<vmem>>) offsets(%dma_start3A_94 : memref<128xi32, #tpu.memory_space<vmem>>) semaphore(%arg7 : memref<!tpu.dma_semaphore, #tpu.memory_space<semaphore_mem>>)
      %mul3A_98 = arith.constant 25 : i32
      %mul3A_99 = arith.muli %scan3A_8, %mul3A_98 : i32
      %add3A_100 = arith.constant 6 : i32
      %add3A_101 = arith.addi %mul3A_99, %add3A_100 : i32
      %dma_start3A_102 = arith.constant 6 : i32
      %dma_start3A_103 = arith.constant 0 : i32
      %dma_start3A_104 = arith.constant 0 : i32
      %dma_start3A_105 = tpu.memref_slice %arg6[%dma_start3A_102, %dma_start3A_103, %dma_start3A_104] : memref<25x128x32xf32, #tpu.memory_space<vmem>> -> memref<1x128x32xf32, #tpu.memory_space<vmem>>
      %dma_start3A_106 = tpu.memref_squeeze %dma_start3A_105 : memref<1x128x32xf32, #tpu.memory_space<vmem>> -> memref<128x32xf32, #tpu.memory_space<vmem>>
      %dma_start3A_107 = arith.constant 0 : i32
      %dma_start3A_108 = tpu.memref_slice %arg5[%add3A_101, %dma_start3A_107] : memref<200x128xi32, #tpu.memory_space<vmem>> -> memref<1x128xi32, #tpu.memory_space<vmem>>
      %dma_start3A_109 = tpu.memref_squeeze %dma_start3A_108 : memref<1x128xi32, #tpu.memory_space<vmem>> -> memref<128xi32, #tpu.memory_space<vmem>>
      %dma_start3A_110 = arith.constant 0 : i32
      %dma_start3A_111 = arith.constant 0 : i32
      %dma_start3A_112 = tpu.memref_slice %arg3[%dma_start3A_110, %dma_start3A_111] : memref<1000000x32xf32, #tpu.memory_space<hbm>> -> memref<1000000x32xf32, #tpu.memory_space<hbm>>
      tpu.enqueue_indirect_dma source(%dma_start3A_112 : memref<1000000x32xf32, #tpu.memory_space<hbm>>) target(%dma_start3A_106 : memref<128x32xf32, #tpu.memory_space<vmem>>) offsets(%dma_start3A_109 : memref<128xi32, #tpu.memory_space<vmem>>) semaphore(%arg7 : memref<!tpu.dma_semaphore, #tpu.memory_space<semaphore_mem>>)
      %mul3A_113 = arith.constant 25 : i32
      %mul3A_114 = arith.muli %scan3A_8, %mul3A_113 : i32
      %add3A_115 = arith.constant 7 : i32
      %add3A_116 = arith.addi %mul3A_114, %add3A_115 : i32
      %dma_start3A_117 = arith.constant 7 : i32
      %dma_start3A_118 = arith.constant 0 : i32
      %dma_start3A_119 = arith.constant 0 : i32
      %dma_start3A_120 = tpu.memref_slice %arg6[%dma_start3A_117, %dma_start3A_118, %dma_start3A_119] : memref<25x128x32xf32, #tpu.memory_space<vmem>> -> memref<1x128x32xf32, #tpu.memory_space<vmem>>
      %dma_start3A_121 = tpu.memref_squeeze %dma_start3A_120 : memref<1x128x32xf32, #tpu.memory_space<vmem>> -> memref<128x32xf32, #tpu.memory_space<vmem>>
      %dma_start3A_122 = arith.constant 0 : i32
      %dma_start3A_123 = tpu.memref_slice %arg5[%add3A_116, %dma_start3A_122] : memref<200x128xi32, #tpu.memory_space<vmem>> -> memref<1x128xi32, #tpu.memory_space<vmem>>
      %dma_start3A_124 = tpu.memref_squeeze %dma_start3A_123 : memref<1x128xi32, #tpu.memory_space<vmem>> -> memref<128xi32, #tpu.memory_space<vmem>>
      %dma_start3A_125 = arith.constant 0 : i32
      %dma_start3A_126 = arith.constant 0 : i32
      %dma_start3A_127 = tpu.memref_slice %arg3[%dma_start3A_125, %dma_start3A_126] : memref<1000000x32xf32, #tpu.memory_space<hbm>> -> memref<1000000x32xf32, #tpu.memory_space<hbm>>
      tpu.enqueue_indirect_dma source(%dma_start3A_127 : memref<1000000x32xf32, #tpu.memory_space<hbm>>) target(%dma_start3A_121 : memref<128x32xf32, #tpu.memory_space<vmem>>) offsets(%dma_start3A_124 : memref<128xi32, #tpu.memory_space<vmem>>) semaphore(%arg7 : memref<!tpu.dma_semaphore, #tpu.memory_space<semaphore_mem>>)
      %mul3A_128 = arith.constant 25 : i32
      %mul3A_129 = arith.muli %scan3A_8, %mul3A_128 : i32
      %add3A_130 = arith.constant 8 : i32
      %add3A_131 = arith.addi %mul3A_129, %add3A_130 : i32
      %dma_start3A_132 = arith.constant 8 : i32
      %dma_start3A_133 = arith.constant 0 : i32
      %dma_start3A_134 = arith.constant 0 : i32
      %dma_start3A_135 = tpu.memref_slice %arg6[%dma_start3A_132, %dma_start3A_133, %dma_start3A_134] : memref<25x128x32xf32, #tpu.memory_space<vmem>> -> memref<1x128x32xf32, #tpu.memory_space<vmem>>
      %dma_start3A_136 = tpu.memref_squeeze %dma_start3A_135 : memref<1x128x32xf32, #tpu.memory_space<vmem>> -> memref<128x32xf32, #tpu.memory_space<vmem>>
      %dma_start3A_137 = arith.constant 0 : i32
      %dma_start3A_138 = tpu.memref_slice %arg5[%add3A_131, %dma_start3A_137] : memref<200x128xi32, #tpu.memory_space<vmem>> -> memref<1x128xi32, #tpu.memory_space<vmem>>
      %dma_start3A_139 = tpu.memref_squeeze %dma_start3A_138 : memref<1x128xi32, #tpu.memory_space<vmem>> -> memref<128xi32, #tpu.memory_space<vmem>>
      %dma_start3A_140 = arith.constant 0 : i32
      %dma_start3A_141 = arith.constant 0 : i32
      %dma_start3A_142 = tpu.memref_slice %arg3[%dma_start3A_140, %dma_start3A_141] : memref<1000000x32xf32, #tpu.memory_space<hbm>> -> memref<1000000x32xf32, #tpu.memory_space<hbm>>
      tpu.enqueue_indirect_dma source(%dma_start3A_142 : memref<1000000x32xf32, #tpu.memory_space<hbm>>) target(%dma_start3A_136 : memref<128x32xf32, #tpu.memory_space<vmem>>) offsets(%dma_start3A_139 : memref<128xi32, #tpu.memory_space<vmem>>) semaphore(%arg7 : memref<!tpu.dma_semaphore, #tpu.memory_space<semaphore_mem>>)
      %mul3A_143 = arith.constant 25 : i32
      %mul3A_144 = arith.muli %scan3A_8, %mul3A_143 : i32
      %add3A_145 = arith.constant 9 : i32
      %add3A_146 = arith.addi %mul3A_144, %add3A_145 : i32
      %dma_start3A_147 = arith.constant 9 : i32
      %dma_start3A_148 = arith.constant 0 : i32
      %dma_start3A_149 = arith.constant 0 : i32
      %dma_start3A_150 = tpu.memref_slice %arg6[%dma_start3A_147, %dma_start3A_148, %dma_start3A_149] : memref<25x128x32xf32, #tpu.memory_space<vmem>> -> memref<1x128x32xf32, #tpu.memory_space<vmem>>
      %dma_start3A_151 = tpu.memref_squeeze %dma_start3A_150 : memref<1x128x32xf32, #tpu.memory_space<vmem>> -> memref<128x32xf32, #tpu.memory_space<vmem>>
      %dma_start3A_152 = arith.constant 0 : i32
      %dma_start3A_153 = tpu.memref_slice %arg5[%add3A_146, %dma_start3A_152] : memref<200x128xi32, #tpu.memory_space<vmem>> -> memref<1x128xi32, #tpu.memory_space<vmem>>
      %dma_start3A_154 = tpu.memref_squeeze %dma_start3A_153 : memref<1x128xi32, #tpu.memory_space<vmem>> -> memref<128xi32, #tpu.memory_space<vmem>>
      %dma_start3A_155 = arith.constant 0 : i32
      %dma_start3A_156 = arith.constant 0 : i32
      %dma_start3A_157 = tpu.memref_slice %arg3[%dma_start3A_155, %dma_start3A_156] : memref<1000000x32xf32, #tpu.memory_space<hbm>> -> memref<1000000x32xf32, #tpu.memory_space<hbm>>
      tpu.enqueue_indirect_dma source(%dma_start3A_157 : memref<1000000x32xf32, #tpu.memory_space<hbm>>) target(%dma_start3A_151 : memref<128x32xf32, #tpu.memory_space<vmem>>) offsets(%dma_start3A_154 : memref<128xi32, #tpu.memory_space<vmem>>) semaphore(%arg7 : memref<!tpu.dma_semaphore, #tpu.memory_space<semaphore_mem>>)
      %mul3A_158 = arith.constant 25 : i32
      %mul3A_159 = arith.muli %scan3A_8, %mul3A_158 : i32
      %add3A_160 = arith.constant 10 : i32
      %add3A_161 = arith.addi %mul3A_159, %add3A_160 : i32
      %dma_start3A_162 = arith.constant 10 : i32
      %dma_start3A_163 = arith.constant 0 : i32
      %dma_start3A_164 = arith.constant 0 : i32
      %dma_start3A_165 = tpu.memref_slice %arg6[%dma_start3A_162, %dma_start3A_163, %dma_start3A_164] : memref<25x128x32xf32, #tpu.memory_space<vmem>> -> memref<1x128x32xf32, #tpu.memory_space<vmem>>
      %dma_start3A_166 = tpu.memref_squeeze %dma_start3A_165 : memref<1x128x32xf32, #tpu.memory_space<vmem>> -> memref<128x32xf32, #tpu.memory_space<vmem>>
      %dma_start3A_167 = arith.constant 0 : i32
      %dma_start3A_168 = tpu.memref_slice %arg5[%add3A_161, %dma_start3A_167] : memref<200x128xi32, #tpu.memory_space<vmem>> -> memref<1x128xi32, #tpu.memory_space<vmem>>
      %dma_start3A_169 = tpu.memref_squeeze %dma_start3A_168 : memref<1x128xi32, #tpu.memory_space<vmem>> -> memref<128xi32, #tpu.memory_space<vmem>>
      %dma_start3A_170 = arith.constant 0 : i32
      %dma_start3A_171 = arith.constant 0 : i32
      %dma_start3A_172 = tpu.memref_slice %arg3[%dma_start3A_170, %dma_start3A_171] : memref<1000000x32xf32, #tpu.memory_space<hbm>> -> memref<1000000x32xf32, #tpu.memory_space<hbm>>
      tpu.enqueue_indirect_dma source(%dma_start3A_172 : memref<1000000x32xf32, #tpu.memory_space<hbm>>) target(%dma_start3A_166 : memref<128x32xf32, #tpu.memory_space<vmem>>) offsets(%dma_start3A_169 : memref<128xi32, #tpu.memory_space<vmem>>) semaphore(%arg7 : memref<!tpu.dma_semaphore, #tpu.memory_space<semaphore_mem>>)
      %mul3A_173 = arith.constant 25 : i32
      %mul3A_174 = arith.muli %scan3A_8, %mul3A_173 : i32
      %add3A_175 = arith.constant 11 : i32
      %add3A_176 = arith.addi %mul3A_174, %add3A_175 : i32
      %dma_start3A_177 = arith.constant 11 : i32
      %dma_start3A_178 = arith.constant 0 : i32
      %dma_start3A_179 = arith.constant 0 : i32
      %dma_start3A_180 = tpu.memref_slice %arg6[%dma_start3A_177, %dma_start3A_178, %dma_start3A_179] : memref<25x128x32xf32, #tpu.memory_space<vmem>> -> memref<1x128x32xf32, #tpu.memory_space<vmem>>
      %dma_start3A_181 = tpu.memref_squeeze %dma_start3A_180 : memref<1x128x32xf32, #tpu.memory_space<vmem>> -> memref<128x32xf32, #tpu.memory_space<vmem>>
      %dma_start3A_182 = arith.constant 0 : i32
      %dma_start3A_183 = tpu.memref_slice %arg5[%add3A_176, %dma_start3A_182] : memref<200x128xi32, #tpu.memory_space<vmem>> -> memref<1x128xi32, #tpu.memory_space<vmem>>
      %dma_start3A_184 = tpu.memref_squeeze %dma_start3A_183 : memref<1x128xi32, #tpu.memory_space<vmem>> -> memref<128xi32, #tpu.memory_space<vmem>>
      %dma_start3A_185 = arith.constant 0 : i32
      %dma_start3A_186 = arith.constant 0 : i32
      %dma_start3A_187 = tpu.memref_slice %arg3[%dma_start3A_185, %dma_start3A_186] : memref<1000000x32xf32, #tpu.memory_space<hbm>> -> memref<1000000x32xf32, #tpu.memory_space<hbm>>
      tpu.enqueue_indirect_dma source(%dma_start3A_187 : memref<1000000x32xf32, #tpu.memory_space<hbm>>) target(%dma_start3A_181 : memref<128x32xf32, #tpu.memory_space<vmem>>) offsets(%dma_start3A_184 : memref<128xi32, #tpu.memory_space<vmem>>) semaphore(%arg7 : memref<!tpu.dma_semaphore, #tpu.memory_space<semaphore_mem>>)
      %mul3A_188 = arith.constant 25 : i32
      %mul3A_189 = arith.muli %scan3A_8, %mul3A_188 : i32
      %add3A_190 = arith.constant 12 : i32
      %add3A_191 = arith.addi %mul3A_189, %add3A_190 : i32
      %dma_start3A_192 = arith.constant 12 : i32
      %dma_start3A_193 = arith.constant 0 : i32
      %dma_start3A_194 = arith.constant 0 : i32
      %dma_start3A_195 = tpu.memref_slice %arg6[%dma_start3A_192, %dma_start3A_193, %dma_start3A_194] : memref<25x128x32xf32, #tpu.memory_space<vmem>> -> memref<1x128x32xf32, #tpu.memory_space<vmem>>
      %dma_start3A_196 = tpu.memref_squeeze %dma_start3A_195 : memref<1x128x32xf32, #tpu.memory_space<vmem>> -> memref<128x32xf32, #tpu.memory_space<vmem>>
      %dma_start3A_197 = arith.constant 0 : i32
      %dma_start3A_198 = tpu.memref_slice %arg5[%add3A_191, %dma_start3A_197] : memref<200x128xi32, #tpu.memory_space<vmem>> -> memref<1x128xi32, #tpu.memory_space<vmem>>
      %dma_start3A_199 = tpu.memref_squeeze %dma_start3A_198 : memref<1x128xi32, #tpu.memory_space<vmem>> -> memref<128xi32, #tpu.memory_space<vmem>>
      %dma_start3A_200 = arith.constant 0 : i32
      %dma_start3A_201 = arith.constant 0 : i32
      %dma_start3A_202 = tpu.memref_slice %arg3[%dma_start3A_200, %dma_start3A_201] : memref<1000000x32xf32, #tpu.memory_space<hbm>> -> memref<1000000x32xf32, #tpu.memory_space<hbm>>
      tpu.enqueue_indirect_dma source(%dma_start3A_202 : memref<1000000x32xf32, #tpu.memory_space<hbm>>) target(%dma_start3A_196 : memref<128x32xf32, #tpu.memory_space<vmem>>) offsets(%dma_start3A_199 : memref<128xi32, #tpu.memory_space<vmem>>) semaphore(%arg7 : memref<!tpu.dma_semaphore, #tpu.memory_space<semaphore_mem>>)
      %mul3A_203 = arith.constant 25 : i32
      %mul3A_204 = arith.muli %scan3A_8, %mul3A_203 : i32
      %add3A_205 = arith.constant 13 : i32
      %add3A_206 = arith.addi %mul3A_204, %add3A_205 : i32
      %dma_start3A_207 = arith.constant 13 : i32
      %dma_start3A_208 = arith.constant 0 : i32
      %dma_start3A_209 = arith.constant 0 : i32
      %dma_start3A_210 = tpu.memref_slice %arg6[%dma_start3A_207, %dma_start3A_208, %dma_start3A_209] : memref<25x128x32xf32, #tpu.memory_space<vmem>> -> memref<1x128x32xf32, #tpu.memory_space<vmem>>
      %dma_start3A_211 = tpu.memref_squeeze %dma_start3A_210 : memref<1x128x32xf32, #tpu.memory_space<vmem>> -> memref<128x32xf32, #tpu.memory_space<vmem>>
      %dma_start3A_212 = arith.constant 0 : i32
      %dma_start3A_213 = tpu.memref_slice %arg5[%add3A_206, %dma_start3A_212] : memref<200x128xi32, #tpu.memory_space<vmem>> -> memref<1x128xi32, #tpu.memory_space<vmem>>
      %dma_start3A_214 = tpu.memref_squeeze %dma_start3A_213 : memref<1x128xi32, #tpu.memory_space<vmem>> -> memref<128xi32, #tpu.memory_space<vmem>>
      %dma_start3A_215 = arith.constant 0 : i32
      %dma_start3A_216 = arith.constant 0 : i32
      %dma_start3A_217 = tpu.memref_slice %arg3[%dma_start3A_215, %dma_start3A_216] : memref<1000000x32xf32, #tpu.memory_space<hbm>> -> memref<1000000x32xf32, #tpu.memory_space<hbm>>
      tpu.enqueue_indirect_dma source(%dma_start3A_217 : memref<1000000x32xf32, #tpu.memory_space<hbm>>) target(%dma_start3A_211 : memref<128x32xf32, #tpu.memory_space<vmem>>) offsets(%dma_start3A_214 : memref<128xi32, #tpu.memory_space<vmem>>) semaphore(%arg7 : memref<!tpu.dma_semaphore, #tpu.memory_space<semaphore_mem>>)
      %mul3A_218 = arith.constant 25 : i32
      %mul3A_219 = arith.muli %scan3A_8, %mul3A_218 : i32
      %add3A_220 = arith.constant 14 : i32
      %add3A_221 = arith.addi %mul3A_219, %add3A_220 : i32
      %dma_start3A_222 = arith.constant 14 : i32
      %dma_start3A_223 = arith.constant 0 : i32
      %dma_start3A_224 = arith.constant 0 : i32
      %dma_start3A_225 = tpu.memref_slice %arg6[%dma_start3A_222, %dma_start3A_223, %dma_start3A_224] : memref<25x128x32xf32, #tpu.memory_space<vmem>> -> memref<1x128x32xf32, #tpu.memory_space<vmem>>
      %dma_start3A_226 = tpu.memref_squeeze %dma_start3A_225 : memref<1x128x32xf32, #tpu.memory_space<vmem>> -> memref<128x32xf32, #tpu.memory_space<vmem>>
      %dma_start3A_227 = arith.constant 0 : i32
      %dma_start3A_228 = tpu.memref_slice %arg5[%add3A_221, %dma_start3A_227] : memref<200x128xi32, #tpu.memory_space<vmem>> -> memref<1x128xi32, #tpu.memory_space<vmem>>
      %dma_start3A_229 = tpu.memref_squeeze %dma_start3A_228 : memref<1x128xi32, #tpu.memory_space<vmem>> -> memref<128xi32, #tpu.memory_space<vmem>>
      %dma_start3A_230 = arith.constant 0 : i32
      %dma_start3A_231 = arith.constant 0 : i32
      %dma_start3A_232 = tpu.memref_slice %arg3[%dma_start3A_230, %dma_start3A_231] : memref<1000000x32xf32, #tpu.memory_space<hbm>> -> memref<1000000x32xf32, #tpu.memory_space<hbm>>
      tpu.enqueue_indirect_dma source(%dma_start3A_232 : memref<1000000x32xf32, #tpu.memory_space<hbm>>) target(%dma_start3A_226 : memref<128x32xf32, #tpu.memory_space<vmem>>) offsets(%dma_start3A_229 : memref<128xi32, #tpu.memory_space<vmem>>) semaphore(%arg7 : memref<!tpu.dma_semaphore, #tpu.memory_space<semaphore_mem>>)
      %mul3A_233 = arith.constant 25 : i32
      %mul3A_234 = arith.muli %scan3A_8, %mul3A_233 : i32
      %add3A_235 = arith.constant 15 : i32
      %add3A_236 = arith.addi %mul3A_234, %add3A_235 : i32
      %dma_start3A_237 = arith.constant 15 : i32
      %dma_start3A_238 = arith.constant 0 : i32
      %dma_start3A_239 = arith.constant 0 : i32
      %dma_start3A_240 = tpu.memref_slice %arg6[%dma_start3A_237, %dma_start3A_238, %dma_start3A_239] : memref<25x128x32xf32, #tpu.memory_space<vmem>> -> memref<1x128x32xf32, #tpu.memory_space<vmem>>
      %dma_start3A_241 = tpu.memref_squeeze %dma_start3A_240 : memref<1x128x32xf32, #tpu.memory_space<vmem>> -> memref<128x32xf32, #tpu.memory_space<vmem>>
      %dma_start3A_242 = arith.constant 0 : i32
      %dma_start3A_243 = tpu.memref_slice %arg5[%add3A_236, %dma_start3A_242] : memref<200x128xi32, #tpu.memory_space<vmem>> -> memref<1x128xi32, #tpu.memory_space<vmem>>
      %dma_start3A_244 = tpu.memref_squeeze %dma_start3A_243 : memref<1x128xi32, #tpu.memory_space<vmem>> -> memref<128xi32, #tpu.memory_space<vmem>>
      %dma_start3A_245 = arith.constant 0 : i32
      %dma_start3A_246 = arith.constant 0 : i32
      %dma_start3A_247 = tpu.memref_slice %arg3[%dma_start3A_245, %dma_start3A_246] : memref<1000000x32xf32, #tpu.memory_space<hbm>> -> memref<1000000x32xf32, #tpu.memory_space<hbm>>
      tpu.enqueue_indirect_dma source(%dma_start3A_247 : memref<1000000x32xf32, #tpu.memory_space<hbm>>) target(%dma_start3A_241 : memref<128x32xf32, #tpu.memory_space<vmem>>) offsets(%dma_start3A_244 : memref<128xi32, #tpu.memory_space<vmem>>) semaphore(%arg7 : memref<!tpu.dma_semaphore, #tpu.memory_space<semaphore_mem>>)
      %mul3A_248 = arith.constant 25 : i32
      %mul3A_249 = arith.muli %scan3A_8, %mul3A_248 : i32
      %add3A_250 = arith.constant 16 : i32
      %add3A_251 = arith.addi %mul3A_249, %add3A_250 : i32
      %dma_start3A_252 = arith.constant 16 : i32
      %dma_start3A_253 = arith.constant 0 : i32
      %dma_start3A_254 = arith.constant 0 : i32
      %dma_start3A_255 = tpu.memref_slice %arg6[%dma_start3A_252, %dma_start3A_253, %dma_start3A_254] : memref<25x128x32xf32, #tpu.memory_space<vmem>> -> memref<1x128x32xf32, #tpu.memory_space<vmem>>
      %dma_start3A_256 = tpu.memref_squeeze %dma_start3A_255 : memref<1x128x32xf32, #tpu.memory_space<vmem>> -> memref<128x32xf32, #tpu.memory_space<vmem>>
      %dma_start3A_257 = arith.constant 0 : i32
      %dma_start3A_258 = tpu.memref_slice %arg5[%add3A_251, %dma_start3A_257] : memref<200x128xi32, #tpu.memory_space<vmem>> -> memref<1x128xi32, #tpu.memory_space<vmem>>
      %dma_start3A_259 = tpu.memref_squeeze %dma_start3A_258 : memref<1x128xi32, #tpu.memory_space<vmem>> -> memref<128xi32, #tpu.memory_space<vmem>>
      %dma_start3A_260 = arith.constant 0 : i32
      %dma_start3A_261 = arith.constant 0 : i32
      %dma_start3A_262 = tpu.memref_slice %arg3[%dma_start3A_260, %dma_start3A_261] : memref<1000000x32xf32, #tpu.memory_space<hbm>> -> memref<1000000x32xf32, #tpu.memory_space<hbm>>
      tpu.enqueue_indirect_dma source(%dma_start3A_262 : memref<1000000x32xf32, #tpu.memory_space<hbm>>) target(%dma_start3A_256 : memref<128x32xf32, #tpu.memory_space<vmem>>) offsets(%dma_start3A_259 : memref<128xi32, #tpu.memory_space<vmem>>) semaphore(%arg7 : memref<!tpu.dma_semaphore, #tpu.memory_space<semaphore_mem>>)
      %mul3A_263 = arith.constant 25 : i32
      %mul3A_264 = arith.muli %scan3A_8, %mul3A_263 : i32
      %add3A_265 = arith.constant 17 : i32
      %add3A_266 = arith.addi %mul3A_264, %add3A_265 : i32
      %dma_start3A_267 = arith.constant 17 : i32
      %dma_start3A_268 = arith.constant 0 : i32
      %dma_start3A_269 = arith.constant 0 : i32
      %dma_start3A_270 = tpu.memref_slice %arg6[%dma_start3A_267, %dma_start3A_268, %dma_start3A_269] : memref<25x128x32xf32, #tpu.memory_space<vmem>> -> memref<1x128x32xf32, #tpu.memory_space<vmem>>
      %dma_start3A_271 = tpu.memref_squeeze %dma_start3A_270 : memref<1x128x32xf32, #tpu.memory_space<vmem>> -> memref<128x32xf32, #tpu.memory_space<vmem>>
      %dma_start3A_272 = arith.constant 0 : i32
      %dma_start3A_273 = tpu.memref_slice %arg5[%add3A_266, %dma_start3A_272] : memref<200x128xi32, #tpu.memory_space<vmem>> -> memref<1x128xi32, #tpu.memory_space<vmem>>
      %dma_start3A_274 = tpu.memref_squeeze %dma_start3A_273 : memref<1x128xi32, #tpu.memory_space<vmem>> -> memref<128xi32, #tpu.memory_space<vmem>>
      %dma_start3A_275 = arith.constant 0 : i32
      %dma_start3A_276 = arith.constant 0 : i32
      %dma_start3A_277 = tpu.memref_slice %arg3[%dma_start3A_275, %dma_start3A_276] : memref<1000000x32xf32, #tpu.memory_space<hbm>> -> memref<1000000x32xf32, #tpu.memory_space<hbm>>
      tpu.enqueue_indirect_dma source(%dma_start3A_277 : memref<1000000x32xf32, #tpu.memory_space<hbm>>) target(%dma_start3A_271 : memref<128x32xf32, #tpu.memory_space<vmem>>) offsets(%dma_start3A_274 : memref<128xi32, #tpu.memory_space<vmem>>) semaphore(%arg7 : memref<!tpu.dma_semaphore, #tpu.memory_space<semaphore_mem>>)
      %mul3A_278 = arith.constant 25 : i32
      %mul3A_279 = arith.muli %scan3A_8, %mul3A_278 : i32
      %add3A_280 = arith.constant 18 : i32
      %add3A_281 = arith.addi %mul3A_279, %add3A_280 : i32
      %dma_start3A_282 = arith.constant 18 : i32
      %dma_start3A_283 = arith.constant 0 : i32
      %dma_start3A_284 = arith.constant 0 : i32
      %dma_start3A_285 = tpu.memref_slice %arg6[%dma_start3A_282, %dma_start3A_283, %dma_start3A_284] : memref<25x128x32xf32, #tpu.memory_space<vmem>> -> memref<1x128x32xf32, #tpu.memory_space<vmem>>
      %dma_start3A_286 = tpu.memref_squeeze %dma_start3A_285 : memref<1x128x32xf32, #tpu.memory_space<vmem>> -> memref<128x32xf32, #tpu.memory_space<vmem>>
      %dma_start3A_287 = arith.constant 0 : i32
      %dma_start3A_288 = tpu.memref_slice %arg5[%add3A_281, %dma_start3A_287] : memref<200x128xi32, #tpu.memory_space<vmem>> -> memref<1x128xi32, #tpu.memory_space<vmem>>
      %dma_start3A_289 = tpu.memref_squeeze %dma_start3A_288 : memref<1x128xi32, #tpu.memory_space<vmem>> -> memref<128xi32, #tpu.memory_space<vmem>>
      %dma_start3A_290 = arith.constant 0 : i32
      %dma_start3A_291 = arith.constant 0 : i32
      %dma_start3A_292 = tpu.memref_slice %arg3[%dma_start3A_290, %dma_start3A_291] : memref<1000000x32xf32, #tpu.memory_space<hbm>> -> memref<1000000x32xf32, #tpu.memory_space<hbm>>
      tpu.enqueue_indirect_dma source(%dma_start3A_292 : memref<1000000x32xf32, #tpu.memory_space<hbm>>) target(%dma_start3A_286 : memref<128x32xf32, #tpu.memory_space<vmem>>) offsets(%dma_start3A_289 : memref<128xi32, #tpu.memory_space<vmem>>) semaphore(%arg7 : memref<!tpu.dma_semaphore, #tpu.memory_space<semaphore_mem>>)
      %mul3A_293 = arith.constant 25 : i32
      %mul3A_294 = arith.muli %scan3A_8, %mul3A_293 : i32
      %add3A_295 = arith.constant 19 : i32
      %add3A_296 = arith.addi %mul3A_294, %add3A_295 : i32
      %dma_start3A_297 = arith.constant 19 : i32
      %dma_start3A_298 = arith.constant 0 : i32
      %dma_start3A_299 = arith.constant 0 : i32
      %dma_start3A_300 = tpu.memref_slice %arg6[%dma_start3A_297, %dma_start3A_298, %dma_start3A_299] : memref<25x128x32xf32, #tpu.memory_space<vmem>> -> memref<1x128x32xf32, #tpu.memory_space<vmem>>
      %dma_start3A_301 = tpu.memref_squeeze %dma_start3A_300 : memref<1x128x32xf32, #tpu.memory_space<vmem>> -> memref<128x32xf32, #tpu.memory_space<vmem>>
      %dma_start3A_302 = arith.constant 0 : i32
      %dma_start3A_303 = tpu.memref_slice %arg5[%add3A_296, %dma_start3A_302] : memref<200x128xi32, #tpu.memory_space<vmem>> -> memref<1x128xi32, #tpu.memory_space<vmem>>
      %dma_start3A_304 = tpu.memref_squeeze %dma_start3A_303 : memref<1x128xi32, #tpu.memory_space<vmem>> -> memref<128xi32, #tpu.memory_space<vmem>>
      %dma_start3A_305 = arith.constant 0 : i32
      %dma_start3A_306 = arith.constant 0 : i32
      %dma_start3A_307 = tpu.memref_slice %arg3[%dma_start3A_305, %dma_start3A_306] : memref<1000000x32xf32, #tpu.memory_space<hbm>> -> memref<1000000x32xf32, #tpu.memory_space<hbm>>
      tpu.enqueue_indirect_dma source(%dma_start3A_307 : memref<1000000x32xf32, #tpu.memory_space<hbm>>) target(%dma_start3A_301 : memref<128x32xf32, #tpu.memory_space<vmem>>) offsets(%dma_start3A_304 : memref<128xi32, #tpu.memory_space<vmem>>) semaphore(%arg7 : memref<!tpu.dma_semaphore, #tpu.memory_space<semaphore_mem>>)
      %mul3A_308 = arith.constant 25 : i32
      %mul3A_309 = arith.muli %scan3A_8, %mul3A_308 : i32
      %add3A_310 = arith.constant 20 : i32
      %add3A_311 = arith.addi %mul3A_309, %add3A_310 : i32
      %dma_start3A_312 = arith.constant 20 : i32
      %dma_start3A_313 = arith.constant 0 : i32
      %dma_start3A_314 = arith.constant 0 : i32
      %dma_start3A_315 = tpu.memref_slice %arg6[%dma_start3A_312, %dma_start3A_313, %dma_start3A_314] : memref<25x128x32xf32, #tpu.memory_space<vmem>> -> memref<1x128x32xf32, #tpu.memory_space<vmem>>
      %dma_start3A_316 = tpu.memref_squeeze %dma_start3A_315 : memref<1x128x32xf32, #tpu.memory_space<vmem>> -> memref<128x32xf32, #tpu.memory_space<vmem>>
      %dma_start3A_317 = arith.constant 0 : i32
      %dma_start3A_318 = tpu.memref_slice %arg5[%add3A_311, %dma_start3A_317] : memref<200x128xi32, #tpu.memory_space<vmem>> -> memref<1x128xi32, #tpu.memory_space<vmem>>
      %dma_start3A_319 = tpu.memref_squeeze %dma_start3A_318 : memref<1x128xi32, #tpu.memory_space<vmem>> -> memref<128xi32, #tpu.memory_space<vmem>>
      %dma_start3A_320 = arith.constant 0 : i32
      %dma_start3A_321 = arith.constant 0 : i32
      %dma_start3A_322 = tpu.memref_slice %arg3[%dma_start3A_320, %dma_start3A_321] : memref<1000000x32xf32, #tpu.memory_space<hbm>> -> memref<1000000x32xf32, #tpu.memory_space<hbm>>
      tpu.enqueue_indirect_dma source(%dma_start3A_322 : memref<1000000x32xf32, #tpu.memory_space<hbm>>) target(%dma_start3A_316 : memref<128x32xf32, #tpu.memory_space<vmem>>) offsets(%dma_start3A_319 : memref<128xi32, #tpu.memory_space<vmem>>) semaphore(%arg7 : memref<!tpu.dma_semaphore, #tpu.memory_space<semaphore_mem>>)
      %mul3A_323 = arith.constant 25 : i32
      %mul3A_324 = arith.muli %scan3A_8, %mul3A_323 : i32
      %add3A_325 = arith.constant 21 : i32
      %add3A_326 = arith.addi %mul3A_324, %add3A_325 : i32
      %dma_start3A_327 = arith.constant 21 : i32
      %dma_start3A_328 = arith.constant 0 : i32
      %dma_start3A_329 = arith.constant 0 : i32
      %dma_start3A_330 = tpu.memref_slice %arg6[%dma_start3A_327, %dma_start3A_328, %dma_start3A_329] : memref<25x128x32xf32, #tpu.memory_space<vmem>> -> memref<1x128x32xf32, #tpu.memory_space<vmem>>
      %dma_start3A_331 = tpu.memref_squeeze %dma_start3A_330 : memref<1x128x32xf32, #tpu.memory_space<vmem>> -> memref<128x32xf32, #tpu.memory_space<vmem>>
      %dma_start3A_332 = arith.constant 0 : i32
      %dma_start3A_333 = tpu.memref_slice %arg5[%add3A_326, %dma_start3A_332] : memref<200x128xi32, #tpu.memory_space<vmem>> -> memref<1x128xi32, #tpu.memory_space<vmem>>
      %dma_start3A_334 = tpu.memref_squeeze %dma_start3A_333 : memref<1x128xi32, #tpu.memory_space<vmem>> -> memref<128xi32, #tpu.memory_space<vmem>>
      %dma_start3A_335 = arith.constant 0 : i32
      %dma_start3A_336 = arith.constant 0 : i32
      %dma_start3A_337 = tpu.memref_slice %arg3[%dma_start3A_335, %dma_start3A_336] : memref<1000000x32xf32, #tpu.memory_space<hbm>> -> memref<1000000x32xf32, #tpu.memory_space<hbm>>
      tpu.enqueue_indirect_dma source(%dma_start3A_337 : memref<1000000x32xf32, #tpu.memory_space<hbm>>) target(%dma_start3A_331 : memref<128x32xf32, #tpu.memory_space<vmem>>) offsets(%dma_start3A_334 : memref<128xi32, #tpu.memory_space<vmem>>) semaphore(%arg7 : memref<!tpu.dma_semaphore, #tpu.memory_space<semaphore_mem>>)
      %mul3A_338 = arith.constant 25 : i32
      %mul3A_339 = arith.muli %scan3A_8, %mul3A_338 : i32
      %add3A_340 = arith.constant 22 : i32
      %add3A_341 = arith.addi %mul3A_339, %add3A_340 : i32
      %dma_start3A_342 = arith.constant 22 : i32
      %dma_start3A_343 = arith.constant 0 : i32
      %dma_start3A_344 = arith.constant 0 : i32
      %dma_start3A_345 = tpu.memref_slice %arg6[%dma_start3A_342, %dma_start3A_343, %dma_start3A_344] : memref<25x128x32xf32, #tpu.memory_space<vmem>> -> memref<1x128x32xf32, #tpu.memory_space<vmem>>
      %dma_start3A_346 = tpu.memref_squeeze %dma_start3A_345 : memref<1x128x32xf32, #tpu.memory_space<vmem>> -> memref<128x32xf32, #tpu.memory_space<vmem>>
      %dma_start3A_347 = arith.constant 0 : i32
      %dma_start3A_348 = tpu.memref_slice %arg5[%add3A_341, %dma_start3A_347] : memref<200x128xi32, #tpu.memory_space<vmem>> -> memref<1x128xi32, #tpu.memory_space<vmem>>
      %dma_start3A_349 = tpu.memref_squeeze %dma_start3A_348 : memref<1x128xi32, #tpu.memory_space<vmem>> -> memref<128xi32, #tpu.memory_space<vmem>>
      %dma_start3A_350 = arith.constant 0 : i32
      %dma_start3A_351 = arith.constant 0 : i32
      %dma_start3A_352 = tpu.memref_slice %arg3[%dma_start3A_350, %dma_start3A_351] : memref<1000000x32xf32, #tpu.memory_space<hbm>> -> memref<1000000x32xf32, #tpu.memory_space<hbm>>
      tpu.enqueue_indirect_dma source(%dma_start3A_352 : memref<1000000x32xf32, #tpu.memory_space<hbm>>) target(%dma_start3A_346 : memref<128x32xf32, #tpu.memory_space<vmem>>) offsets(%dma_start3A_349 : memref<128xi32, #tpu.memory_space<vmem>>) semaphore(%arg7 : memref<!tpu.dma_semaphore, #tpu.memory_space<semaphore_mem>>)
      %mul3A_353 = arith.constant 25 : i32
      %mul3A_354 = arith.muli %scan3A_8, %mul3A_353 : i32
      %add3A_355 = arith.constant 23 : i32
      %add3A_356 = arith.addi %mul3A_354, %add3A_355 : i32
      %dma_start3A_357 = arith.constant 23 : i32
      %dma_start3A_358 = arith.constant 0 : i32
      %dma_start3A_359 = arith.constant 0 : i32
      %dma_start3A_360 = tpu.memref_slice %arg6[%dma_start3A_357, %dma_start3A_358, %dma_start3A_359] : memref<25x128x32xf32, #tpu.memory_space<vmem>> -> memref<1x128x32xf32, #tpu.memory_space<vmem>>
      %dma_start3A_361 = tpu.memref_squeeze %dma_start3A_360 : memref<1x128x32xf32, #tpu.memory_space<vmem>> -> memref<128x32xf32, #tpu.memory_space<vmem>>
      %dma_start3A_362 = arith.constant 0 : i32
      %dma_start3A_363 = tpu.memref_slice %arg5[%add3A_356, %dma_start3A_362] : memref<200x128xi32, #tpu.memory_space<vmem>> -> memref<1x128xi32, #tpu.memory_space<vmem>>
      %dma_start3A_364 = tpu.memref_squeeze %dma_start3A_363 : memref<1x128xi32, #tpu.memory_space<vmem>> -> memref<128xi32, #tpu.memory_space<vmem>>
      %dma_start3A_365 = arith.constant 0 : i32
      %dma_start3A_366 = arith.constant 0 : i32
      %dma_start3A_367 = tpu.memref_slice %arg3[%dma_start3A_365, %dma_start3A_366] : memref<1000000x32xf32, #tpu.memory_space<hbm>> -> memref<1000000x32xf32, #tpu.memory_space<hbm>>
      tpu.enqueue_indirect_dma source(%dma_start3A_367 : memref<1000000x32xf32, #tpu.memory_space<hbm>>) target(%dma_start3A_361 : memref<128x32xf32, #tpu.memory_space<vmem>>) offsets(%dma_start3A_364 : memref<128xi32, #tpu.memory_space<vmem>>) semaphore(%arg7 : memref<!tpu.dma_semaphore, #tpu.memory_space<semaphore_mem>>)
      %mul3A_368 = arith.constant 25 : i32
      %mul3A_369 = arith.muli %scan3A_8, %mul3A_368 : i32
      %add3A_370 = arith.constant 24 : i32
      %add3A_371 = arith.addi %mul3A_369, %add3A_370 : i32
      %dma_start3A_372 = arith.constant 24 : i32
      %dma_start3A_373 = arith.constant 0 : i32
      %dma_start3A_374 = arith.constant 0 : i32
      %dma_start3A_375 = tpu.memref_slice %arg6[%dma_start3A_372, %dma_start3A_373, %dma_start3A_374] : memref<25x128x32xf32, #tpu.memory_space<vmem>> -> memref<1x128x32xf32, #tpu.memory_space<vmem>>
      %dma_start3A_376 = tpu.memref_squeeze %dma_start3A_375 : memref<1x128x32xf32, #tpu.memory_space<vmem>> -> memref<128x32xf32, #tpu.memory_space<vmem>>
      %dma_start3A_377 = arith.constant 0 : i32
      %dma_start3A_378 = tpu.memref_slice %arg5[%add3A_371, %dma_start3A_377] : memref<200x128xi32, #tpu.memory_space<vmem>> -> memref<1x128xi32, #tpu.memory_space<vmem>>
      %dma_start3A_379 = tpu.memref_squeeze %dma_start3A_378 : memref<1x128xi32, #tpu.memory_space<vmem>> -> memref<128xi32, #tpu.memory_space<vmem>>
      %dma_start3A_380 = arith.constant 0 : i32
      %dma_start3A_381 = arith.constant 0 : i32
      %dma_start3A_382 = tpu.memref_slice %arg3[%dma_start3A_380, %dma_start3A_381] : memref<1000000x32xf32, #tpu.memory_space<hbm>> -> memref<1000000x32xf32, #tpu.memory_space<hbm>>
      tpu.enqueue_indirect_dma source(%dma_start3A_382 : memref<1000000x32xf32, #tpu.memory_space<hbm>>) target(%dma_start3A_376 : memref<128x32xf32, #tpu.memory_space<vmem>>) offsets(%dma_start3A_379 : memref<128xi32, #tpu.memory_space<vmem>>) semaphore(%arg7 : memref<!tpu.dma_semaphore, #tpu.memory_space<semaphore_mem>>)
      %dma_wait3A = arith.constant 0 : i32
      %dma_wait3A_383 = arith.constant 0 : i32
      %dma_wait3A_384 = arith.constant 0 : i32
      %dma_wait3A_385 = arith.constant 0 : i32
      %dma_wait3A_386 = tpu.memref_slice %arg6[%dma_wait3A_383, %dma_wait3A_384, %dma_wait3A_385] : memref<25x128x32xf32, #tpu.memory_space<vmem>> -> memref<1x128x32xf32, #tpu.memory_space<vmem>>
      %dma_wait3A_387 = tpu.memref_squeeze %dma_wait3A_386 : memref<1x128x32xf32, #tpu.memory_space<vmem>> -> memref<128x32xf32, #tpu.memory_space<vmem>>
      %dma_wait3A_388 = arith.constant 0 : i32
      %dma_wait3A_389 = tpu.memref_slice %arg5[%dma_wait3A, %dma_wait3A_388] : memref<200x128xi32, #tpu.memory_space<vmem>> -> memref<1x128xi32, #tpu.memory_space<vmem>>
      %dma_wait3A_390 = tpu.memref_squeeze %dma_wait3A_389 : memref<1x128xi32, #tpu.memory_space<vmem>> -> memref<128xi32, #tpu.memory_space<vmem>>
      %dma_wait3A_391 = arith.constant 0 : i32
      %dma_wait3A_392 = arith.constant 0 : i32
      %dma_wait3A_393 = tpu.memref_slice %arg3[%dma_wait3A_391, %dma_wait3A_392] : memref<1000000x32xf32, #tpu.memory_space<hbm>> -> memref<1000000x32xf32, #tpu.memory_space<hbm>>
      tpu.wait_indirect_dma semaphore(%arg7 : memref<!tpu.dma_semaphore, #tpu.memory_space<semaphore_mem>>) src(%dma_wait3A_393 : memref<1000000x32xf32, #tpu.memory_space<hbm>>) dst(%dma_wait3A_387 : memref<128x32xf32, #tpu.memory_space<vmem>>)
      %dma_wait3A_394 = arith.constant 1 : i32
      %dma_wait3A_395 = arith.constant 1 : i32
      %dma_wait3A_396 = arith.constant 0 : i32
      %dma_wait3A_397 = arith.constant 0 : i32
      %dma_wait3A_398 = tpu.memref_slice %arg6[%dma_wait3A_395, %dma_wait3A_396, %dma_wait3A_397] : memref<25x128x32xf32, #tpu.memory_space<vmem>> -> memref<1x128x32xf32, #tpu.memory_space<vmem>>
      %dma_wait3A_399 = tpu.memref_squeeze %dma_wait3A_398 : memref<1x128x32xf32, #tpu.memory_space<vmem>> -> memref<128x32xf32, #tpu.memory_space<vmem>>
      %dma_wait3A_400 = arith.constant 0 : i32
      %dma_wait3A_401 = tpu.memref_slice %arg5[%dma_wait3A_394, %dma_wait3A_400] : memref<200x128xi32, #tpu.memory_space<vmem>> -> memref<1x128xi32, #tpu.memory_space<vmem>>
      %dma_wait3A_402 = tpu.memref_squeeze %dma_wait3A_401 : memref<1x128xi32, #tpu.memory_space<vmem>> -> memref<128xi32, #tpu.memory_space<vmem>>
      %dma_wait3A_403 = arith.constant 0 : i32
      %dma_wait3A_404 = arith.constant 0 : i32
      %dma_wait3A_405 = tpu.memref_slice %arg3[%dma_wait3A_403, %dma_wait3A_404] : memref<1000000x32xf32, #tpu.memory_space<hbm>> -> memref<1000000x32xf32, #tpu.memory_space<hbm>>
      tpu.wait_indirect_dma semaphore(%arg7 : memref<!tpu.dma_semaphore, #tpu.memory_space<semaphore_mem>>) src(%dma_wait3A_405 : memref<1000000x32xf32, #tpu.memory_space<hbm>>) dst(%dma_wait3A_399 : memref<128x32xf32, #tpu.memory_space<vmem>>)
      %dma_wait3A_406 = arith.constant 2 : i32
      %dma_wait3A_407 = arith.constant 2 : i32
      %dma_wait3A_408 = arith.constant 0 : i32
      %dma_wait3A_409 = arith.constant 0 : i32
      %dma_wait3A_410 = tpu.memref_slice %arg6[%dma_wait3A_407, %dma_wait3A_408, %dma_wait3A_409] : memref<25x128x32xf32, #tpu.memory_space<vmem>> -> memref<1x128x32xf32, #tpu.memory_space<vmem>>
      %dma_wait3A_411 = tpu.memref_squeeze %dma_wait3A_410 : memref<1x128x32xf32, #tpu.memory_space<vmem>> -> memref<128x32xf32, #tpu.memory_space<vmem>>
      %dma_wait3A_412 = arith.constant 0 : i32
      %dma_wait3A_413 = tpu.memref_slice %arg5[%dma_wait3A_406, %dma_wait3A_412] : memref<200x128xi32, #tpu.memory_space<vmem>> -> memref<1x128xi32, #tpu.memory_space<vmem>>
      %dma_wait3A_414 = tpu.memref_squeeze %dma_wait3A_413 : memref<1x128xi32, #tpu.memory_space<vmem>> -> memref<128xi32, #tpu.memory_space<vmem>>
      %dma_wait3A_415 = arith.constant 0 : i32
      %dma_wait3A_416 = arith.constant 0 : i32
      %dma_wait3A_417 = tpu.memref_slice %arg3[%dma_wait3A_415, %dma_wait3A_416] : memref<1000000x32xf32, #tpu.memory_space<hbm>> -> memref<1000000x32xf32, #tpu.memory_space<hbm>>
      tpu.wait_indirect_dma semaphore(%arg7 : memref<!tpu.dma_semaphore, #tpu.memory_space<semaphore_mem>>) src(%dma_wait3A_417 : memref<1000000x32xf32, #tpu.memory_space<hbm>>) dst(%dma_wait3A_411 : memref<128x32xf32, #tpu.memory_space<vmem>>)
      %dma_wait3A_418 = arith.constant 3 : i32
      %dma_wait3A_419 = arith.constant 3 : i32
      %dma_wait3A_420 = arith.constant 0 : i32
      %dma_wait3A_421 = arith.constant 0 : i32
      %dma_wait3A_422 = tpu.memref_slice %arg6[%dma_wait3A_419, %dma_wait3A_420, %dma_wait3A_421] : memref<25x128x32xf32, #tpu.memory_space<vmem>> -> memref<1x128x32xf32, #tpu.memory_space<vmem>>
      %dma_wait3A_423 = tpu.memref_squeeze %dma_wait3A_422 : memref<1x128x32xf32, #tpu.memory_space<vmem>> -> memref<128x32xf32, #tpu.memory_space<vmem>>
      %dma_wait3A_424 = arith.constant 0 : i32
      %dma_wait3A_425 = tpu.memref_slice %arg5[%dma_wait3A_418, %dma_wait3A_424] : memref<200x128xi32, #tpu.memory_space<vmem>> -> memref<1x128xi32, #tpu.memory_space<vmem>>
      %dma_wait3A_426 = tpu.memref_squeeze %dma_wait3A_425 : memref<1x128xi32, #tpu.memory_space<vmem>> -> memref<128xi32, #tpu.memory_space<vmem>>
      %dma_wait3A_427 = arith.constant 0 : i32
      %dma_wait3A_428 = arith.constant 0 : i32
      %dma_wait3A_429 = tpu.memref_slice %arg3[%dma_wait3A_427, %dma_wait3A_428] : memref<1000000x32xf32, #tpu.memory_space<hbm>> -> memref<1000000x32xf32, #tpu.memory_space<hbm>>
      tpu.wait_indirect_dma semaphore(%arg7 : memref<!tpu.dma_semaphore, #tpu.memory_space<semaphore_mem>>) src(%dma_wait3A_429 : memref<1000000x32xf32, #tpu.memory_space<hbm>>) dst(%dma_wait3A_423 : memref<128x32xf32, #tpu.memory_space<vmem>>)
      %dma_wait3A_430 = arith.constant 4 : i32
      %dma_wait3A_431 = arith.constant 4 : i32
      %dma_wait3A_432 = arith.constant 0 : i32
      %dma_wait3A_433 = arith.constant 0 : i32
      %dma_wait3A_434 = tpu.memref_slice %arg6[%dma_wait3A_431, %dma_wait3A_432, %dma_wait3A_433] : memref<25x128x32xf32, #tpu.memory_space<vmem>> -> memref<1x128x32xf32, #tpu.memory_space<vmem>>
      %dma_wait3A_435 = tpu.memref_squeeze %dma_wait3A_434 : memref<1x128x32xf32, #tpu.memory_space<vmem>> -> memref<128x32xf32, #tpu.memory_space<vmem>>
      %dma_wait3A_436 = arith.constant 0 : i32
      %dma_wait3A_437 = tpu.memref_slice %arg5[%dma_wait3A_430, %dma_wait3A_436] : memref<200x128xi32, #tpu.memory_space<vmem>> -> memref<1x128xi32, #tpu.memory_space<vmem>>
      %dma_wait3A_438 = tpu.memref_squeeze %dma_wait3A_437 : memref<1x128xi32, #tpu.memory_space<vmem>> -> memref<128xi32, #tpu.memory_space<vmem>>
      %dma_wait3A_439 = arith.constant 0 : i32
      %dma_wait3A_440 = arith.constant 0 : i32
      %dma_wait3A_441 = tpu.memref_slice %arg3[%dma_wait3A_439, %dma_wait3A_440] : memref<1000000x32xf32, #tpu.memory_space<hbm>> -> memref<1000000x32xf32, #tpu.memory_space<hbm>>
      tpu.wait_indirect_dma semaphore(%arg7 : memref<!tpu.dma_semaphore, #tpu.memory_space<semaphore_mem>>) src(%dma_wait3A_441 : memref<1000000x32xf32, #tpu.memory_space<hbm>>) dst(%dma_wait3A_435 : memref<128x32xf32, #tpu.memory_space<vmem>>)
      %dma_wait3A_442 = arith.constant 5 : i32
      %dma_wait3A_443 = arith.constant 5 : i32
      %dma_wait3A_444 = arith.constant 0 : i32
      %dma_wait3A_445 = arith.constant 0 : i32
      %dma_wait3A_446 = tpu.memref_slice %arg6[%dma_wait3A_443, %dma_wait3A_444, %dma_wait3A_445] : memref<25x128x32xf32, #tpu.memory_space<vmem>> -> memref<1x128x32xf32, #tpu.memory_space<vmem>>
      %dma_wait3A_447 = tpu.memref_squeeze %dma_wait3A_446 : memref<1x128x32xf32, #tpu.memory_space<vmem>> -> memref<128x32xf32, #tpu.memory_space<vmem>>
      %dma_wait3A_448 = arith.constant 0 : i32
      %dma_wait3A_449 = tpu.memref_slice %arg5[%dma_wait3A_442, %dma_wait3A_448] : memref<200x128xi32, #tpu.memory_space<vmem>> -> memref<1x128xi32, #tpu.memory_space<vmem>>
      %dma_wait3A_450 = tpu.memref_squeeze %dma_wait3A_449 : memref<1x128xi32, #tpu.memory_space<vmem>> -> memref<128xi32, #tpu.memory_space<vmem>>
      %dma_wait3A_451 = arith.constant 0 : i32
      %dma_wait3A_452 = arith.constant 0 : i32
      %dma_wait3A_453 = tpu.memref_slice %arg3[%dma_wait3A_451, %dma_wait3A_452] : memref<1000000x32xf32, #tpu.memory_space<hbm>> -> memref<1000000x32xf32, #tpu.memory_space<hbm>>
      tpu.wait_indirect_dma semaphore(%arg7 : memref<!tpu.dma_semaphore, #tpu.memory_space<semaphore_mem>>) src(%dma_wait3A_453 : memref<1000000x32xf32, #tpu.memory_space<hbm>>) dst(%dma_wait3A_447 : memref<128x32xf32, #tpu.memory_space<vmem>>)
      %dma_wait3A_454 = arith.constant 6 : i32
      %dma_wait3A_455 = arith.constant 6 : i32
      %dma_wait3A_456 = arith.constant 0 : i32
      %dma_wait3A_457 = arith.constant 0 : i32
      %dma_wait3A_458 = tpu.memref_slice %arg6[%dma_wait3A_455, %dma_wait3A_456, %dma_wait3A_457] : memref<25x128x32xf32, #tpu.memory_space<vmem>> -> memref<1x128x32xf32, #tpu.memory_space<vmem>>
      %dma_wait3A_459 = tpu.memref_squeeze %dma_wait3A_458 : memref<1x128x32xf32, #tpu.memory_space<vmem>> -> memref<128x32xf32, #tpu.memory_space<vmem>>
      %dma_wait3A_460 = arith.constant 0 : i32
      %dma_wait3A_461 = tpu.memref_slice %arg5[%dma_wait3A_454, %dma_wait3A_460] : memref<200x128xi32, #tpu.memory_space<vmem>> -> memref<1x128xi32, #tpu.memory_space<vmem>>
      %dma_wait3A_462 = tpu.memref_squeeze %dma_wait3A_461 : memref<1x128xi32, #tpu.memory_space<vmem>> -> memref<128xi32, #tpu.memory_space<vmem>>
      %dma_wait3A_463 = arith.constant 0 : i32
      %dma_wait3A_464 = arith.constant 0 : i32
      %dma_wait3A_465 = tpu.memref_slice %arg3[%dma_wait3A_463, %dma_wait3A_464] : memref<1000000x32xf32, #tpu.memory_space<hbm>> -> memref<1000000x32xf32, #tpu.memory_space<hbm>>
      tpu.wait_indirect_dma semaphore(%arg7 : memref<!tpu.dma_semaphore, #tpu.memory_space<semaphore_mem>>) src(%dma_wait3A_465 : memref<1000000x32xf32, #tpu.memory_space<hbm>>) dst(%dma_wait3A_459 : memref<128x32xf32, #tpu.memory_space<vmem>>)
      %dma_wait3A_466 = arith.constant 7 : i32
      %dma_wait3A_467 = arith.constant 7 : i32
      %dma_wait3A_468 = arith.constant 0 : i32
      %dma_wait3A_469 = arith.constant 0 : i32
      %dma_wait3A_470 = tpu.memref_slice %arg6[%dma_wait3A_467, %dma_wait3A_468, %dma_wait3A_469] : memref<25x128x32xf32, #tpu.memory_space<vmem>> -> memref<1x128x32xf32, #tpu.memory_space<vmem>>
      %dma_wait3A_471 = tpu.memref_squeeze %dma_wait3A_470 : memref<1x128x32xf32, #tpu.memory_space<vmem>> -> memref<128x32xf32, #tpu.memory_space<vmem>>
      %dma_wait3A_472 = arith.constant 0 : i32
      %dma_wait3A_473 = tpu.memref_slice %arg5[%dma_wait3A_466, %dma_wait3A_472] : memref<200x128xi32, #tpu.memory_space<vmem>> -> memref<1x128xi32, #tpu.memory_space<vmem>>
      %dma_wait3A_474 = tpu.memref_squeeze %dma_wait3A_473 : memref<1x128xi32, #tpu.memory_space<vmem>> -> memref<128xi32, #tpu.memory_space<vmem>>
      %dma_wait3A_475 = arith.constant 0 : i32
      %dma_wait3A_476 = arith.constant 0 : i32
      %dma_wait3A_477 = tpu.memref_slice %arg3[%dma_wait3A_475, %dma_wait3A_476] : memref<1000000x32xf32, #tpu.memory_space<hbm>> -> memref<1000000x32xf32, #tpu.memory_space<hbm>>
      tpu.wait_indirect_dma semaphore(%arg7 : memref<!tpu.dma_semaphore, #tpu.memory_space<semaphore_mem>>) src(%dma_wait3A_477 : memref<1000000x32xf32, #tpu.memory_space<hbm>>) dst(%dma_wait3A_471 : memref<128x32xf32, #tpu.memory_space<vmem>>)
      %dma_wait3A_478 = arith.constant 8 : i32
      %dma_wait3A_479 = arith.constant 8 : i32
      %dma_wait3A_480 = arith.constant 0 : i32
      %dma_wait3A_481 = arith.constant 0 : i32
      %dma_wait3A_482 = tpu.memref_slice %arg6[%dma_wait3A_479, %dma_wait3A_480, %dma_wait3A_481] : memref<25x128x32xf32, #tpu.memory_space<vmem>> -> memref<1x128x32xf32, #tpu.memory_space<vmem>>
      %dma_wait3A_483 = tpu.memref_squeeze %dma_wait3A_482 : memref<1x128x32xf32, #tpu.memory_space<vmem>> -> memref<128x32xf32, #tpu.memory_space<vmem>>
      %dma_wait3A_484 = arith.constant 0 : i32
      %dma_wait3A_485 = tpu.memref_slice %arg5[%dma_wait3A_478, %dma_wait3A_484] : memref<200x128xi32, #tpu.memory_space<vmem>> -> memref<1x128xi32, #tpu.memory_space<vmem>>
      %dma_wait3A_486 = tpu.memref_squeeze %dma_wait3A_485 : memref<1x128xi32, #tpu.memory_space<vmem>> -> memref<128xi32, #tpu.memory_space<vmem>>
      %dma_wait3A_487 = arith.constant 0 : i32
      %dma_wait3A_488 = arith.constant 0 : i32
      %dma_wait3A_489 = tpu.memref_slice %arg3[%dma_wait3A_487, %dma_wait3A_488] : memref<1000000x32xf32, #tpu.memory_space<hbm>> -> memref<1000000x32xf32, #tpu.memory_space<hbm>>
      tpu.wait_indirect_dma semaphore(%arg7 : memref<!tpu.dma_semaphore, #tpu.memory_space<semaphore_mem>>) src(%dma_wait3A_489 : memref<1000000x32xf32, #tpu.memory_space<hbm>>) dst(%dma_wait3A_483 : memref<128x32xf32, #tpu.memory_space<vmem>>)
      %dma_wait3A_490 = arith.constant 9 : i32
      %dma_wait3A_491 = arith.constant 9 : i32
      %dma_wait3A_492 = arith.constant 0 : i32
      %dma_wait3A_493 = arith.constant 0 : i32
      %dma_wait3A_494 = tpu.memref_slice %arg6[%dma_wait3A_491, %dma_wait3A_492, %dma_wait3A_493] : memref<25x128x32xf32, #tpu.memory_space<vmem>> -> memref<1x128x32xf32, #tpu.memory_space<vmem>>
      %dma_wait3A_495 = tpu.memref_squeeze %dma_wait3A_494 : memref<1x128x32xf32, #tpu.memory_space<vmem>> -> memref<128x32xf32, #tpu.memory_space<vmem>>
      %dma_wait3A_496 = arith.constant 0 : i32
      %dma_wait3A_497 = tpu.memref_slice %arg5[%dma_wait3A_490, %dma_wait3A_496] : memref<200x128xi32, #tpu.memory_space<vmem>> -> memref<1x128xi32, #tpu.memory_space<vmem>>
      %dma_wait3A_498 = tpu.memref_squeeze %dma_wait3A_497 : memref<1x128xi32, #tpu.memory_space<vmem>> -> memref<128xi32, #tpu.memory_space<vmem>>
      %dma_wait3A_499 = arith.constant 0 : i32
      %dma_wait3A_500 = arith.constant 0 : i32
      %dma_wait3A_501 = tpu.memref_slice %arg3[%dma_wait3A_499, %dma_wait3A_500] : memref<1000000x32xf32, #tpu.memory_space<hbm>> -> memref<1000000x32xf32, #tpu.memory_space<hbm>>
      tpu.wait_indirect_dma semaphore(%arg7 : memref<!tpu.dma_semaphore, #tpu.memory_space<semaphore_mem>>) src(%dma_wait3A_501 : memref<1000000x32xf32, #tpu.memory_space<hbm>>) dst(%dma_wait3A_495 : memref<128x32xf32, #tpu.memory_space<vmem>>)
      %dma_wait3A_502 = arith.constant 10 : i32
      %dma_wait3A_503 = arith.constant 10 : i32
      %dma_wait3A_504 = arith.constant 0 : i32
      %dma_wait3A_505 = arith.constant 0 : i32
      %dma_wait3A_506 = tpu.memref_slice %arg6[%dma_wait3A_503, %dma_wait3A_504, %dma_wait3A_505] : memref<25x128x32xf32, #tpu.memory_space<vmem>> -> memref<1x128x32xf32, #tpu.memory_space<vmem>>
      %dma_wait3A_507 = tpu.memref_squeeze %dma_wait3A_506 : memref<1x128x32xf32, #tpu.memory_space<vmem>> -> memref<128x32xf32, #tpu.memory_space<vmem>>
      %dma_wait3A_508 = arith.constant 0 : i32
      %dma_wait3A_509 = tpu.memref_slice %arg5[%dma_wait3A_502, %dma_wait3A_508] : memref<200x128xi32, #tpu.memory_space<vmem>> -> memref<1x128xi32, #tpu.memory_space<vmem>>
      %dma_wait3A_510 = tpu.memref_squeeze %dma_wait3A_509 : memref<1x128xi32, #tpu.memory_space<vmem>> -> memref<128xi32, #tpu.memory_space<vmem>>
      %dma_wait3A_511 = arith.constant 0 : i32
      %dma_wait3A_512 = arith.constant 0 : i32
      %dma_wait3A_513 = tpu.memref_slice %arg3[%dma_wait3A_511, %dma_wait3A_512] : memref<1000000x32xf32, #tpu.memory_space<hbm>> -> memref<1000000x32xf32, #tpu.memory_space<hbm>>
      tpu.wait_indirect_dma semaphore(%arg7 : memref<!tpu.dma_semaphore, #tpu.memory_space<semaphore_mem>>) src(%dma_wait3A_513 : memref<1000000x32xf32, #tpu.memory_space<hbm>>) dst(%dma_wait3A_507 : memref<128x32xf32, #tpu.memory_space<vmem>>)
      %dma_wait3A_514 = arith.constant 11 : i32
      %dma_wait3A_515 = arith.constant 11 : i32
      %dma_wait3A_516 = arith.constant 0 : i32
      %dma_wait3A_517 = arith.constant 0 : i32
      %dma_wait3A_518 = tpu.memref_slice %arg6[%dma_wait3A_515, %dma_wait3A_516, %dma_wait3A_517] : memref<25x128x32xf32, #tpu.memory_space<vmem>> -> memref<1x128x32xf32, #tpu.memory_space<vmem>>
      %dma_wait3A_519 = tpu.memref_squeeze %dma_wait3A_518 : memref<1x128x32xf32, #tpu.memory_space<vmem>> -> memref<128x32xf32, #tpu.memory_space<vmem>>
      %dma_wait3A_520 = arith.constant 0 : i32
      %dma_wait3A_521 = tpu.memref_slice %arg5[%dma_wait3A_514, %dma_wait3A_520] : memref<200x128xi32, #tpu.memory_space<vmem>> -> memref<1x128xi32, #tpu.memory_space<vmem>>
      %dma_wait3A_522 = tpu.memref_squeeze %dma_wait3A_521 : memref<1x128xi32, #tpu.memory_space<vmem>> -> memref<128xi32, #tpu.memory_space<vmem>>
      %dma_wait3A_523 = arith.constant 0 : i32
      %dma_wait3A_524 = arith.constant 0 : i32
      %dma_wait3A_525 = tpu.memref_slice %arg3[%dma_wait3A_523, %dma_wait3A_524] : memref<1000000x32xf32, #tpu.memory_space<hbm>> -> memref<1000000x32xf32, #tpu.memory_space<hbm>>
      tpu.wait_indirect_dma semaphore(%arg7 : memref<!tpu.dma_semaphore, #tpu.memory_space<semaphore_mem>>) src(%dma_wait3A_525 : memref<1000000x32xf32, #tpu.memory_space<hbm>>) dst(%dma_wait3A_519 : memref<128x32xf32, #tpu.memory_space<vmem>>)
      %dma_wait3A_526 = arith.constant 12 : i32
      %dma_wait3A_527 = arith.constant 12 : i32
      %dma_wait3A_528 = arith.constant 0 : i32
      %dma_wait3A_529 = arith.constant 0 : i32
      %dma_wait3A_530 = tpu.memref_slice %arg6[%dma_wait3A_527, %dma_wait3A_528, %dma_wait3A_529] : memref<25x128x32xf32, #tpu.memory_space<vmem>> -> memref<1x128x32xf32, #tpu.memory_space<vmem>>
      %dma_wait3A_531 = tpu.memref_squeeze %dma_wait3A_530 : memref<1x128x32xf32, #tpu.memory_space<vmem>> -> memref<128x32xf32, #tpu.memory_space<vmem>>
      %dma_wait3A_532 = arith.constant 0 : i32
      %dma_wait3A_533 = tpu.memref_slice %arg5[%dma_wait3A_526, %dma_wait3A_532] : memref<200x128xi32, #tpu.memory_space<vmem>> -> memref<1x128xi32, #tpu.memory_space<vmem>>
      %dma_wait3A_534 = tpu.memref_squeeze %dma_wait3A_533 : memref<1x128xi32, #tpu.memory_space<vmem>> -> memref<128xi32, #tpu.memory_space<vmem>>
      %dma_wait3A_535 = arith.constant 0 : i32
      %dma_wait3A_536 = arith.constant 0 : i32
      %dma_wait3A_537 = tpu.memref_slice %arg3[%dma_wait3A_535, %dma_wait3A_536] : memref<1000000x32xf32, #tpu.memory_space<hbm>> -> memref<1000000x32xf32, #tpu.memory_space<hbm>>
      tpu.wait_indirect_dma semaphore(%arg7 : memref<!tpu.dma_semaphore, #tpu.memory_space<semaphore_mem>>) src(%dma_wait3A_537 : memref<1000000x32xf32, #tpu.memory_space<hbm>>) dst(%dma_wait3A_531 : memref<128x32xf32, #tpu.memory_space<vmem>>)
      %dma_wait3A_538 = arith.constant 13 : i32
      %dma_wait3A_539 = arith.constant 13 : i32
      %dma_wait3A_540 = arith.constant 0 : i32
      %dma_wait3A_541 = arith.constant 0 : i32
      %dma_wait3A_542 = tpu.memref_slice %arg6[%dma_wait3A_539, %dma_wait3A_540, %dma_wait3A_541] : memref<25x128x32xf32, #tpu.memory_space<vmem>> -> memref<1x128x32xf32, #tpu.memory_space<vmem>>
      %dma_wait3A_543 = tpu.memref_squeeze %dma_wait3A_542 : memref<1x128x32xf32, #tpu.memory_space<vmem>> -> memref<128x32xf32, #tpu.memory_space<vmem>>
      %dma_wait3A_544 = arith.constant 0 : i32
      %dma_wait3A_545 = tpu.memref_slice %arg5[%dma_wait3A_538, %dma_wait3A_544] : memref<200x128xi32, #tpu.memory_space<vmem>> -> memref<1x128xi32, #tpu.memory_space<vmem>>
      %dma_wait3A_546 = tpu.memref_squeeze %dma_wait3A_545 : memref<1x128xi32, #tpu.memory_space<vmem>> -> memref<128xi32, #tpu.memory_space<vmem>>
      %dma_wait3A_547 = arith.constant 0 : i32
      %dma_wait3A_548 = arith.constant 0 : i32
      %dma_wait3A_549 = tpu.memref_slice %arg3[%dma_wait3A_547, %dma_wait3A_548] : memref<1000000x32xf32, #tpu.memory_space<hbm>> -> memref<1000000x32xf32, #tpu.memory_space<hbm>>
      tpu.wait_indirect_dma semaphore(%arg7 : memref<!tpu.dma_semaphore, #tpu.memory_space<semaphore_mem>>) src(%dma_wait3A_549 : memref<1000000x32xf32, #tpu.memory_space<hbm>>) dst(%dma_wait3A_543 : memref<128x32xf32, #tpu.memory_space<vmem>>)
      %dma_wait3A_550 = arith.constant 14 : i32
      %dma_wait3A_551 = arith.constant 14 : i32
      %dma_wait3A_552 = arith.constant 0 : i32
      %dma_wait3A_553 = arith.constant 0 : i32
      %dma_wait3A_554 = tpu.memref_slice %arg6[%dma_wait3A_551, %dma_wait3A_552, %dma_wait3A_553] : memref<25x128x32xf32, #tpu.memory_space<vmem>> -> memref<1x128x32xf32, #tpu.memory_space<vmem>>
      %dma_wait3A_555 = tpu.memref_squeeze %dma_wait3A_554 : memref<1x128x32xf32, #tpu.memory_space<vmem>> -> memref<128x32xf32, #tpu.memory_space<vmem>>
      %dma_wait3A_556 = arith.constant 0 : i32
      %dma_wait3A_557 = tpu.memref_slice %arg5[%dma_wait3A_550, %dma_wait3A_556] : memref<200x128xi32, #tpu.memory_space<vmem>> -> memref<1x128xi32, #tpu.memory_space<vmem>>
      %dma_wait3A_558 = tpu.memref_squeeze %dma_wait3A_557 : memref<1x128xi32, #tpu.memory_space<vmem>> -> memref<128xi32, #tpu.memory_space<vmem>>
      %dma_wait3A_559 = arith.constant 0 : i32
      %dma_wait3A_560 = arith.constant 0 : i32
      %dma_wait3A_561 = tpu.memref_slice %arg3[%dma_wait3A_559, %dma_wait3A_560] : memref<1000000x32xf32, #tpu.memory_space<hbm>> -> memref<1000000x32xf32, #tpu.memory_space<hbm>>
      tpu.wait_indirect_dma semaphore(%arg7 : memref<!tpu.dma_semaphore, #tpu.memory_space<semaphore_mem>>) src(%dma_wait3A_561 : memref<1000000x32xf32, #tpu.memory_space<hbm>>) dst(%dma_wait3A_555 : memref<128x32xf32, #tpu.memory_space<vmem>>)
      %dma_wait3A_562 = arith.constant 15 : i32
      %dma_wait3A_563 = arith.constant 15 : i32
      %dma_wait3A_564 = arith.constant 0 : i32
      %dma_wait3A_565 = arith.constant 0 : i32
      %dma_wait3A_566 = tpu.memref_slice %arg6[%dma_wait3A_563, %dma_wait3A_564, %dma_wait3A_565] : memref<25x128x32xf32, #tpu.memory_space<vmem>> -> memref<1x128x32xf32, #tpu.memory_space<vmem>>
      %dma_wait3A_567 = tpu.memref_squeeze %dma_wait3A_566 : memref<1x128x32xf32, #tpu.memory_space<vmem>> -> memref<128x32xf32, #tpu.memory_space<vmem>>
      %dma_wait3A_568 = arith.constant 0 : i32
      %dma_wait3A_569 = tpu.memref_slice %arg5[%dma_wait3A_562, %dma_wait3A_568] : memref<200x128xi32, #tpu.memory_space<vmem>> -> memref<1x128xi32, #tpu.memory_space<vmem>>
      %dma_wait3A_570 = tpu.memref_squeeze %dma_wait3A_569 : memref<1x128xi32, #tpu.memory_space<vmem>> -> memref<128xi32, #tpu.memory_space<vmem>>
      %dma_wait3A_571 = arith.constant 0 : i32
      %dma_wait3A_572 = arith.constant 0 : i32
      %dma_wait3A_573 = tpu.memref_slice %arg3[%dma_wait3A_571, %dma_wait3A_572] : memref<1000000x32xf32, #tpu.memory_space<hbm>> -> memref<1000000x32xf32, #tpu.memory_space<hbm>>
      tpu.wait_indirect_dma semaphore(%arg7 : memref<!tpu.dma_semaphore, #tpu.memory_space<semaphore_mem>>) src(%dma_wait3A_573 : memref<1000000x32xf32, #tpu.memory_space<hbm>>) dst(%dma_wait3A_567 : memref<128x32xf32, #tpu.memory_space<vmem>>)
      %dma_wait3A_574 = arith.constant 16 : i32
      %dma_wait3A_575 = arith.constant 16 : i32
      %dma_wait3A_576 = arith.constant 0 : i32
      %dma_wait3A_577 = arith.constant 0 : i32
      %dma_wait3A_578 = tpu.memref_slice %arg6[%dma_wait3A_575, %dma_wait3A_576, %dma_wait3A_577] : memref<25x128x32xf32, #tpu.memory_space<vmem>> -> memref<1x128x32xf32, #tpu.memory_space<vmem>>
      %dma_wait3A_579 = tpu.memref_squeeze %dma_wait3A_578 : memref<1x128x32xf32, #tpu.memory_space<vmem>> -> memref<128x32xf32, #tpu.memory_space<vmem>>
      %dma_wait3A_580 = arith.constant 0 : i32
      %dma_wait3A_581 = tpu.memref_slice %arg5[%dma_wait3A_574, %dma_wait3A_580] : memref<200x128xi32, #tpu.memory_space<vmem>> -> memref<1x128xi32, #tpu.memory_space<vmem>>
      %dma_wait3A_582 = tpu.memref_squeeze %dma_wait3A_581 : memref<1x128xi32, #tpu.memory_space<vmem>> -> memref<128xi32, #tpu.memory_space<vmem>>
      %dma_wait3A_583 = arith.constant 0 : i32
      %dma_wait3A_584 = arith.constant 0 : i32
      %dma_wait3A_585 = tpu.memref_slice %arg3[%dma_wait3A_583, %dma_wait3A_584] : memref<1000000x32xf32, #tpu.memory_space<hbm>> -> memref<1000000x32xf32, #tpu.memory_space<hbm>>
      tpu.wait_indirect_dma semaphore(%arg7 : memref<!tpu.dma_semaphore, #tpu.memory_space<semaphore_mem>>) src(%dma_wait3A_585 : memref<1000000x32xf32, #tpu.memory_space<hbm>>) dst(%dma_wait3A_579 : memref<128x32xf32, #tpu.memory_space<vmem>>)
      %dma_wait3A_586 = arith.constant 17 : i32
      %dma_wait3A_587 = arith.constant 17 : i32
      %dma_wait3A_588 = arith.constant 0 : i32
      %dma_wait3A_589 = arith.constant 0 : i32
      %dma_wait3A_590 = tpu.memref_slice %arg6[%dma_wait3A_587, %dma_wait3A_588, %dma_wait3A_589] : memref<25x128x32xf32, #tpu.memory_space<vmem>> -> memref<1x128x32xf32, #tpu.memory_space<vmem>>
      %dma_wait3A_591 = tpu.memref_squeeze %dma_wait3A_590 : memref<1x128x32xf32, #tpu.memory_space<vmem>> -> memref<128x32xf32, #tpu.memory_space<vmem>>
      %dma_wait3A_592 = arith.constant 0 : i32
      %dma_wait3A_593 = tpu.memref_slice %arg5[%dma_wait3A_586, %dma_wait3A_592] : memref<200x128xi32, #tpu.memory_space<vmem>> -> memref<1x128xi32, #tpu.memory_space<vmem>>
      %dma_wait3A_594 = tpu.memref_squeeze %dma_wait3A_593 : memref<1x128xi32, #tpu.memory_space<vmem>> -> memref<128xi32, #tpu.memory_space<vmem>>
      %dma_wait3A_595 = arith.constant 0 : i32
      %dma_wait3A_596 = arith.constant 0 : i32
      %dma_wait3A_597 = tpu.memref_slice %arg3[%dma_wait3A_595, %dma_wait3A_596] : memref<1000000x32xf32, #tpu.memory_space<hbm>> -> memref<1000000x32xf32, #tpu.memory_space<hbm>>
      tpu.wait_indirect_dma semaphore(%arg7 : memref<!tpu.dma_semaphore, #tpu.memory_space<semaphore_mem>>) src(%dma_wait3A_597 : memref<1000000x32xf32, #tpu.memory_space<hbm>>) dst(%dma_wait3A_591 : memref<128x32xf32, #tpu.memory_space<vmem>>)
      %dma_wait3A_598 = arith.constant 18 : i32
      %dma_wait3A_599 = arith.constant 18 : i32
      %dma_wait3A_600 = arith.constant 0 : i32
      %dma_wait3A_601 = arith.constant 0 : i32
      %dma_wait3A_602 = tpu.memref_slice %arg6[%dma_wait3A_599, %dma_wait3A_600, %dma_wait3A_601] : memref<25x128x32xf32, #tpu.memory_space<vmem>> -> memref<1x128x32xf32, #tpu.memory_space<vmem>>
      %dma_wait3A_603 = tpu.memref_squeeze %dma_wait3A_602 : memref<1x128x32xf32, #tpu.memory_space<vmem>> -> memref<128x32xf32, #tpu.memory_space<vmem>>
      %dma_wait3A_604 = arith.constant 0 : i32
      %dma_wait3A_605 = tpu.memref_slice %arg5[%dma_wait3A_598, %dma_wait3A_604] : memref<200x128xi32, #tpu.memory_space<vmem>> -> memref<1x128xi32, #tpu.memory_space<vmem>>
      %dma_wait3A_606 = tpu.memref_squeeze %dma_wait3A_605 : memref<1x128xi32, #tpu.memory_space<vmem>> -> memref<128xi32, #tpu.memory_space<vmem>>
      %dma_wait3A_607 = arith.constant 0 : i32
      %dma_wait3A_608 = arith.constant 0 : i32
      %dma_wait3A_609 = tpu.memref_slice %arg3[%dma_wait3A_607, %dma_wait3A_608] : memref<1000000x32xf32, #tpu.memory_space<hbm>> -> memref<1000000x32xf32, #tpu.memory_space<hbm>>
      tpu.wait_indirect_dma semaphore(%arg7 : memref<!tpu.dma_semaphore, #tpu.memory_space<semaphore_mem>>) src(%dma_wait3A_609 : memref<1000000x32xf32, #tpu.memory_space<hbm>>) dst(%dma_wait3A_603 : memref<128x32xf32, #tpu.memory_space<vmem>>)
      %dma_wait3A_610 = arith.constant 19 : i32
      %dma_wait3A_611 = arith.constant 19 : i32
      %dma_wait3A_612 = arith.constant 0 : i32
      %dma_wait3A_613 = arith.constant 0 : i32
      %dma_wait3A_614 = tpu.memref_slice %arg6[%dma_wait3A_611, %dma_wait3A_612, %dma_wait3A_613] : memref<25x128x32xf32, #tpu.memory_space<vmem>> -> memref<1x128x32xf32, #tpu.memory_space<vmem>>
      %dma_wait3A_615 = tpu.memref_squeeze %dma_wait3A_614 : memref<1x128x32xf32, #tpu.memory_space<vmem>> -> memref<128x32xf32, #tpu.memory_space<vmem>>
      %dma_wait3A_616 = arith.constant 0 : i32
      %dma_wait3A_617 = tpu.memref_slice %arg5[%dma_wait3A_610, %dma_wait3A_616] : memref<200x128xi32, #tpu.memory_space<vmem>> -> memref<1x128xi32, #tpu.memory_space<vmem>>
      %dma_wait3A_618 = tpu.memref_squeeze %dma_wait3A_617 : memref<1x128xi32, #tpu.memory_space<vmem>> -> memref<128xi32, #tpu.memory_space<vmem>>
      %dma_wait3A_619 = arith.constant 0 : i32
      %dma_wait3A_620 = arith.constant 0 : i32
      %dma_wait3A_621 = tpu.memref_slice %arg3[%dma_wait3A_619, %dma_wait3A_620] : memref<1000000x32xf32, #tpu.memory_space<hbm>> -> memref<1000000x32xf32, #tpu.memory_space<hbm>>
      tpu.wait_indirect_dma semaphore(%arg7 : memref<!tpu.dma_semaphore, #tpu.memory_space<semaphore_mem>>) src(%dma_wait3A_621 : memref<1000000x32xf32, #tpu.memory_space<hbm>>) dst(%dma_wait3A_615 : memref<128x32xf32, #tpu.memory_space<vmem>>)
      %dma_wait3A_622 = arith.constant 20 : i32
      %dma_wait3A_623 = arith.constant 20 : i32
      %dma_wait3A_624 = arith.constant 0 : i32
      %dma_wait3A_625 = arith.constant 0 : i32
      %dma_wait3A_626 = tpu.memref_slice %arg6[%dma_wait3A_623, %dma_wait3A_624, %dma_wait3A_625] : memref<25x128x32xf32, #tpu.memory_space<vmem>> -> memref<1x128x32xf32, #tpu.memory_space<vmem>>
      %dma_wait3A_627 = tpu.memref_squeeze %dma_wait3A_626 : memref<1x128x32xf32, #tpu.memory_space<vmem>> -> memref<128x32xf32, #tpu.memory_space<vmem>>
      %dma_wait3A_628 = arith.constant 0 : i32
      %dma_wait3A_629 = tpu.memref_slice %arg5[%dma_wait3A_622, %dma_wait3A_628] : memref<200x128xi32, #tpu.memory_space<vmem>> -> memref<1x128xi32, #tpu.memory_space<vmem>>
      %dma_wait3A_630 = tpu.memref_squeeze %dma_wait3A_629 : memref<1x128xi32, #tpu.memory_space<vmem>> -> memref<128xi32, #tpu.memory_space<vmem>>
      %dma_wait3A_631 = arith.constant 0 : i32
      %dma_wait3A_632 = arith.constant 0 : i32
      %dma_wait3A_633 = tpu.memref_slice %arg3[%dma_wait3A_631, %dma_wait3A_632] : memref<1000000x32xf32, #tpu.memory_space<hbm>> -> memref<1000000x32xf32, #tpu.memory_space<hbm>>
      tpu.wait_indirect_dma semaphore(%arg7 : memref<!tpu.dma_semaphore, #tpu.memory_space<semaphore_mem>>) src(%dma_wait3A_633 : memref<1000000x32xf32, #tpu.memory_space<hbm>>) dst(%dma_wait3A_627 : memref<128x32xf32, #tpu.memory_space<vmem>>)
      %dma_wait3A_634 = arith.constant 21 : i32
      %dma_wait3A_635 = arith.constant 21 : i32
      %dma_wait3A_636 = arith.constant 0 : i32
      %dma_wait3A_637 = arith.constant 0 : i32
      %dma_wait3A_638 = tpu.memref_slice %arg6[%dma_wait3A_635, %dma_wait3A_636, %dma_wait3A_637] : memref<25x128x32xf32, #tpu.memory_space<vmem>> -> memref<1x128x32xf32, #tpu.memory_space<vmem>>
      %dma_wait3A_639 = tpu.memref_squeeze %dma_wait3A_638 : memref<1x128x32xf32, #tpu.memory_space<vmem>> -> memref<128x32xf32, #tpu.memory_space<vmem>>
      %dma_wait3A_640 = arith.constant 0 : i32
      %dma_wait3A_641 = tpu.memref_slice %arg5[%dma_wait3A_634, %dma_wait3A_640] : memref<200x128xi32, #tpu.memory_space<vmem>> -> memref<1x128xi32, #tpu.memory_space<vmem>>
      %dma_wait3A_642 = tpu.memref_squeeze %dma_wait3A_641 : memref<1x128xi32, #tpu.memory_space<vmem>> -> memref<128xi32, #tpu.memory_space<vmem>>
      %dma_wait3A_643 = arith.constant 0 : i32
      %dma_wait3A_644 = arith.constant 0 : i32
      %dma_wait3A_645 = tpu.memref_slice %arg3[%dma_wait3A_643, %dma_wait3A_644] : memref<1000000x32xf32, #tpu.memory_space<hbm>> -> memref<1000000x32xf32, #tpu.memory_space<hbm>>
      tpu.wait_indirect_dma semaphore(%arg7 : memref<!tpu.dma_semaphore, #tpu.memory_space<semaphore_mem>>) src(%dma_wait3A_645 : memref<1000000x32xf32, #tpu.memory_space<hbm>>) dst(%dma_wait3A_639 : memref<128x32xf32, #tpu.memory_space<vmem>>)
      %dma_wait3A_646 = arith.constant 22 : i32
      %dma_wait3A_647 = arith.constant 22 : i32
      %dma_wait3A_648 = arith.constant 0 : i32
      %dma_wait3A_649 = arith.constant 0 : i32
      %dma_wait3A_650 = tpu.memref_slice %arg6[%dma_wait3A_647, %dma_wait3A_648, %dma_wait3A_649] : memref<25x128x32xf32, #tpu.memory_space<vmem>> -> memref<1x128x32xf32, #tpu.memory_space<vmem>>
      %dma_wait3A_651 = tpu.memref_squeeze %dma_wait3A_650 : memref<1x128x32xf32, #tpu.memory_space<vmem>> -> memref<128x32xf32, #tpu.memory_space<vmem>>
      %dma_wait3A_652 = arith.constant 0 : i32
      %dma_wait3A_653 = tpu.memref_slice %arg5[%dma_wait3A_646, %dma_wait3A_652] : memref<200x128xi32, #tpu.memory_space<vmem>> -> memref<1x128xi32, #tpu.memory_space<vmem>>
      %dma_wait3A_654 = tpu.memref_squeeze %dma_wait3A_653 : memref<1x128xi32, #tpu.memory_space<vmem>> -> memref<128xi32, #tpu.memory_space<vmem>>
      %dma_wait3A_655 = arith.constant 0 : i32
      %dma_wait3A_656 = arith.constant 0 : i32
      %dma_wait3A_657 = tpu.memref_slice %arg3[%dma_wait3A_655, %dma_wait3A_656] : memref<1000000x32xf32, #tpu.memory_space<hbm>> -> memref<1000000x32xf32, #tpu.memory_space<hbm>>
      tpu.wait_indirect_dma semaphore(%arg7 : memref<!tpu.dma_semaphore, #tpu.memory_space<semaphore_mem>>) src(%dma_wait3A_657 : memref<1000000x32xf32, #tpu.memory_space<hbm>>) dst(%dma_wait3A_651 : memref<128x32xf32, #tpu.memory_space<vmem>>)
      %dma_wait3A_658 = arith.constant 23 : i32
      %dma_wait3A_659 = arith.constant 23 : i32
      %dma_wait3A_660 = arith.constant 0 : i32
      %dma_wait3A_661 = arith.constant 0 : i32
      %dma_wait3A_662 = tpu.memref_slice %arg6[%dma_wait3A_659, %dma_wait3A_660, %dma_wait3A_661] : memref<25x128x32xf32, #tpu.memory_space<vmem>> -> memref<1x128x32xf32, #tpu.memory_space<vmem>>
      %dma_wait3A_663 = tpu.memref_squeeze %dma_wait3A_662 : memref<1x128x32xf32, #tpu.memory_space<vmem>> -> memref<128x32xf32, #tpu.memory_space<vmem>>
      %dma_wait3A_664 = arith.constant 0 : i32
      %dma_wait3A_665 = tpu.memref_slice %arg5[%dma_wait3A_658, %dma_wait3A_664] : memref<200x128xi32, #tpu.memory_space<vmem>> -> memref<1x128xi32, #tpu.memory_space<vmem>>
      %dma_wait3A_666 = tpu.memref_squeeze %dma_wait3A_665 : memref<1x128xi32, #tpu.memory_space<vmem>> -> memref<128xi32, #tpu.memory_space<vmem>>
      %dma_wait3A_667 = arith.constant 0 : i32
      %dma_wait3A_668 = arith.constant 0 : i32
      %dma_wait3A_669 = tpu.memref_slice %arg3[%dma_wait3A_667, %dma_wait3A_668] : memref<1000000x32xf32, #tpu.memory_space<hbm>> -> memref<1000000x32xf32, #tpu.memory_space<hbm>>
      tpu.wait_indirect_dma semaphore(%arg7 : memref<!tpu.dma_semaphore, #tpu.memory_space<semaphore_mem>>) src(%dma_wait3A_669 : memref<1000000x32xf32, #tpu.memory_space<hbm>>) dst(%dma_wait3A_663 : memref<128x32xf32, #tpu.memory_space<vmem>>)
      %dma_wait3A_670 = arith.constant 24 : i32
      %dma_wait3A_671 = arith.constant 24 : i32
      %dma_wait3A_672 = arith.constant 0 : i32
      %dma_wait3A_673 = arith.constant 0 : i32
      %dma_wait3A_674 = tpu.memref_slice %arg6[%dma_wait3A_671, %dma_wait3A_672, %dma_wait3A_673] : memref<25x128x32xf32, #tpu.memory_space<vmem>> -> memref<1x128x32xf32, #tpu.memory_space<vmem>>
      %dma_wait3A_675 = tpu.memref_squeeze %dma_wait3A_674 : memref<1x128x32xf32, #tpu.memory_space<vmem>> -> memref<128x32xf32, #tpu.memory_space<vmem>>
      %dma_wait3A_676 = arith.constant 0 : i32
      %dma_wait3A_677 = tpu.memref_slice %arg5[%dma_wait3A_670, %dma_wait3A_676] : memref<200x128xi32, #tpu.memory_space<vmem>> -> memref<1x128xi32, #tpu.memory_space<vmem>>
      %dma_wait3A_678 = tpu.memref_squeeze %dma_wait3A_677 : memref<1x128xi32, #tpu.memory_space<vmem>> -> memref<128xi32, #tpu.memory_space<vmem>>
      %dma_wait3A_679 = arith.constant 0 : i32
      %dma_wait3A_680 = arith.constant 0 : i32
      %dma_wait3A_681 = tpu.memref_slice %arg3[%dma_wait3A_679, %dma_wait3A_680] : memref<1000000x32xf32, #tpu.memory_space<hbm>> -> memref<1000000x32xf32, #tpu.memory_space<hbm>>
      tpu.wait_indirect_dma semaphore(%arg7 : memref<!tpu.dma_semaphore, #tpu.memory_space<semaphore_mem>>) src(%dma_wait3A_681 : memref<1000000x32xf32, #tpu.memory_space<hbm>>) dst(%dma_wait3A_675 : memref<128x32xf32, #tpu.memory_space<vmem>>)
      %mul3A_682 = arith.constant 25 : i32
      %mul3A_683 = arith.muli %scan3A_8, %mul3A_682 : i32
      %add3A_684 = arith.addi %mul3A_2, %mul3A_683 : i32
      "tpu.region"() ({
        %run_scoped3A = tpu.sem_alloc : memref<!tpu.dma_semaphore, #tpu.memory_space<semaphore_mem>>
        %dma_start3A_685 = arith.constant 0 : i32
        %dma_start3A_686 = arith.constant 0 : i32
        %dma_start3A_687 = tpu.memref_slice %arg4[%add3A_684, %dma_start3A_685, %dma_start3A_686] : memref<6400x128x32xf32, #tpu.memory_space<hbm>> -> memref<25x128x32xf32, #tpu.memory_space<hbm>>
        %dma_start3A_688 = arith.constant 0 : i32
        %dma_start3A_689 = arith.constant 0 : i32
        %dma_start3A_690 = tpu.memref_slice %arg4[%add3A_684, %dma_start3A_688, %dma_start3A_689] : memref<6400x128x32xf32, #tpu.memory_space<hbm>> -> memref<25x128x32xf32, #tpu.memory_space<hbm>>
        tpu.enqueue_dma source(%arg6 : memref<25x128x32xf32, #tpu.memory_space<vmem>>) target(%dma_start3A_690 : memref<25x128x32xf32, #tpu.memory_space<hbm>>) target_semaphore(%run_scoped3A : memref<!tpu.dma_semaphore, #tpu.memory_space<semaphore_mem>>)
        %dma_wait3A_691 = arith.constant 0 : i32
        %dma_wait3A_692 = arith.constant 0 : i32
        %dma_wait3A_693 = tpu.memref_slice %arg4[%add3A_684, %dma_wait3A_691, %dma_wait3A_692] : memref<6400x128x32xf32, #tpu.memory_space<hbm>> -> memref<25x128x32xf32, #tpu.memory_space<hbm>>
        %dma_wait3A_694 = arith.constant 0 : i32
        %dma_wait3A_695 = arith.constant 0 : i32
        %dma_wait3A_696 = tpu.memref_slice %arg4[%add3A_684, %dma_wait3A_694, %dma_wait3A_695] : memref<6400x128x32xf32, #tpu.memory_space<hbm>> -> memref<25x128x32xf32, #tpu.memory_space<hbm>>
        tpu.wait_dma2 semaphore(%run_scoped3A : memref<!tpu.dma_semaphore, #tpu.memory_space<semaphore_mem>>) src(%arg6 : memref<25x128x32xf32, #tpu.memory_space<vmem>>) dst(%dma_wait3A_696 : memref<25x128x32xf32, #tpu.memory_space<hbm>>)
        tpu.yield
      }) : () -> ()
    }
    %scan3A_7 = arith.constant 8 : i32
    return
  }
}

</mosaic_0001>

<sc_bundles>
// kernel: kernel.3.cloned.1.call-start
scs
__scs_entry_jumppad:
0x0: {  	(pc) =	sbr.rel $0x88, $3  }
0x1: {  	(tag) =	ssettag $0x0;
	lr =	simm.s32 $0x1  }
0x2: {  	[smem:$0x3F9F] =	sst lr;
	_ =	strace $0xD0000000  }
0x3: {  	_ = 	snop  }
0x4: {  	_ = 	snop  }
0x5: {  	_ = 	snop  }
0x6: {  	_ = 	snop  }
0x7: {  	_ = 	snop  }
__scs_overlays_trampoline_lowered:
0x8: {  	[smem:$0x3FAE] =	sst s0  }
0x9: {  	[smem:$0x3FAF] =	sst s1  }
0xa: {  	[smem:$0x3FB0] =	sst s2  }
0xb: {  	[smem:$0x3FB1] =	sst s3  }
0xc: {  	[smem:$0x3FB2] =	sst s4  }
0xd: {  	[smem:$0x3FB3] =	sst s5  }
0xe: {  	[smem:$0x3FB4] =	sst s6  }
0xf: {  	[smem:$0x3FB5] =	sst s7  }
0x10: {  	[smem:$0x3FB6] =	sst s8  }
0x11: {  	[smem:$0x3FB7] =	sst s9;
	s0 =	simm.s32 @!p0 $0x0  }
0x12: {  	s1 =	sld [smem:$0x3F9D];
	s0 =	simm.s32 @p0 $0x1  }
0x13: {  	[smem:$0x3FB8] =	sst s0;
	s0 =	simm.s32 @!p1 $0x0  }
0x14: {  	s2 =	sld [smem:$0x3F9C];
	s0 =	simm.s32 @p1 $0x1  }
0x15: {  	[smem:$0x3FB9] =	sst s0;
	s0 =	simm.s32 @!p2 $0x0  }
0x16: {  	s3 =	sld [smem:$0x3FDB];
	s0 =	simm.s32 @p2 $0x1  }
0x17: {  	s4 =	simm.s32 $0x1BF5;
	[smem:$0x3FBB] =	sst s0  }
0x18: {  	s0 =	sld [smem:$0x3F9E];
	_ =	swait.ge [sflag:s4], $0x0  }
0x19: {  	s7 =	sld [smem:$0x3F9F]  }
0x1a: {  	s8 =	sadd.s32 $0xFFFFE003, lr  }
0x1b: {  	s9 =	sadd.s32 $0xFFFFFEF7, lr;
	s5 =	simm.s32 $0xFFFFFFFF;
	p2 =	slt.u32 s8, $0xFFFFF086  }
0x1c: {  	p1 =	slt.u32 s9, $0xF7A;
	s5 =	simm.s32 @!p2 $0x0  }
0x1d: {  	s5 =	simm.s32 @p1 $0x1;
	p0 =	seq.s32 s7, s2  }
0x1e: {  	s7 =	smul.u32 @!p0 $0xF7A, s2;
	p2 =	seq.s32 @!p0 s5, $0x0  }
0x1f: {  	s9 =	smul.u32 $0xF7A, s1;
	s8 =	simm.s32 @!p0 $0x1BF5;
	p2 =	por !p2, p0  }
0x20: {  	[sflag:s8] =	ssyncset.s32 @!p0 $0xFFFFF086;
	s6 =	sadd.s32 @!p0 s3, s7;
	s7 =	simm.s32 @!p0 $0x108  }
0x21: {  	s3 =	sadd.s32 s3, s9;
	s6 =	sadd.s32 @!p0 $0x88, s6;
	s7 =	simm.s32 @p2 $0x1082  }
0x22: {  	[simem:s7], [sflag:s8] =	dma.local @!p0 [hbm:s6], $0xF7A  }
0x23: {  	s9 =	sor.u32 $0xD0000000, s2;
	s6 =	simm.s32 $0x108;
	_ =	swait.ge @!p0 [sflag:s8], $0x0  }
0x24: {  	s3 =	sadd.s32 $0x88, s3;
	s6 =	simm.s32 @!p1 $0x1082;
	[sflag:s4] =	ssyncset.s32 $0xFFFFF086  }
0x25: {  	[simem:s6], [sflag:s4] =	dma.local [hbm:s3], $0xF7A  }
0x26: {  	[smem:$0x3F9F] =	sst s1;
	(tag) =	ssettag s2;
	_ =	strace s9  }
0x27: {  	s1 =	sld [smem:$0x3FAF]  }
0x28: {  	s2 =	sld [smem:$0x3FB0]  }
0x29: {  	s4 =	sld [smem:$0x3FB2]  }
0x2a: {  	p0 =	seq.s32 s5, $0x0;
	s5 =	sld [smem:$0x3FB3]  }
0x2b: {  	s6 =	sld [smem:$0x3FB4]  }
0x2c: {  	s7 =	sld [smem:$0x3FB5]  }
0x2d: {  	s3 =	simm.s32 $0x108;
	s8 =	sld [smem:$0x3FB6]  }
0x2e: {  	s3 =	simm.s32 @!p0 $0x1082;
	s9 =	sld [smem:$0x3FB7]  }
0x2f: {  	lr =	sadd.s32 s0, s3;
	s0 =	sld [smem:$0x3FAE]  }
0x30: {  	s3 =	sld [smem:$0x3FB1]  }
0x31: {  	[smem:$0x3FBA] =	sst s10  }
0x32: {  	s10 =	sld [smem:$0x3FB8];
	_ =	sdelay $0x3  }
0x33: {  	p0 =	seq.s32 s10, $0x1;
	s10 =	sld [smem:$0x3FBA];
	_ =	sdelay $0x3  }
0x34: {  	[smem:$0x3FBA] =	sst s10  }
0x35: {  	s10 =	sld [smem:$0x3FB9];
	_ =	sdelay $0x3  }
0x36: {  	p1 =	seq.s32 s10, $0x1;
	s10 =	sld [smem:$0x3FBA];
	_ =	sdelay $0x3  }
0x37: {  	[smem:$0x3FBA] =	sst s10  }
0x38: {  	s10 =	sld [smem:$0x3FBB]  }
0x39: {  	_ = 	snop;
	(pc) =	sbr.ind lr, $3  }
0x3a: {  	_ = 	snop  }
0x3b: {  	_ = 	snop  }
0x3c: {  	p2 =	seq.s32 s10, $0x1;
	s10 =	sld [smem:$0x3FBA]  }
0x3d: {  	_ =	shalt  }
0x3e: {  	_ =	shalt  }
0x3f: {  	_ =	shalt  }
0x40: {  	_ =	shalt  }
0x41: {  	_ =	shalt  }
0x42: {  	_ =	shalt  }
0x43: {  	_ =	shalt  }
0x44: {  	_ =	shalt  }
0x45: {  	_ =	shalt  }
0x46: {  	_ =	shalt  }
0x47: {  	_ =	shalt  }
0x48: {  	_ =	shalt  }
0x49: {  	_ =	shalt  }
0x4a: {  	_ =	shalt  }
0x4b: {  	_ =	shalt  }
0x4c: {  	_ =	shalt  }
0x4d: {  	_ =	shalt  }
0x4e: {  	_ =	shalt  }
0x4f: {  	_ =	shalt  }
0x50: {  	_ =	shalt  }
0x51: {  	_ =	shalt  }
0x52: {  	_ =	shalt  }
0x53: {  	_ =	shalt  }
0x54: {  	_ =	shalt  }
0x55: {  	_ =	shalt  }
0x56: {  	_ =	shalt  }
0x57: {  	_ =	shalt  }
0x58: {  	_ =	shalt  }
0x59: {  	_ =	shalt  }
0x5a: {  	_ =	shalt  }
0x5b: {  	_ =	shalt  }
0x5c: {  	_ =	shalt  }
0x5d: {  	_ =	shalt  }
0x5e: {  	_ =	shalt  }
0x5f: {  	_ =	shalt  }
0x60: {  	_ =	shalt  }
0x61: {  	_ =	shalt  }
0x62: {  	_ =	shalt  }
0x63: {  	_ =	shalt  }
0x64: {  	_ =	shalt  }
0x65: {  	_ =	shalt  }
0x66: {  	_ =	shalt  }
0x67: {  	_ =	shalt  }
0x68: {  	_ =	shalt  }
0x69: {  	_ =	shalt  }
0x6a: {  	_ =	shalt  }
0x6b: {  	_ =	shalt  }
0x6c: {  	_ =	shalt  }
0x6d: {  	_ =	shalt  }
0x6e: {  	_ =	shalt  }
0x6f: {  	_ =	shalt  }
0x70: {  	_ =	shalt  }
0x71: {  	_ =	shalt  }
0x72: {  	_ =	shalt  }
0x73: {  	_ =	shalt  }
0x74: {  	_ =	shalt  }
0x75: {  	_ =	shalt  }
0x76: {  	_ =	shalt  }
0x77: {  	_ =	shalt  }
0x78: {  	_ =	shalt  }
0x79: {  	_ =	shalt  }
0x7a: {  	_ =	shalt  }
0x7b: {  	_ =	shalt  }
0x7c: {  	_ =	shalt  }
0x7d: {  	_ =	shalt  }
0x7e: {  	_ =	shalt  }
0x7f: {  	_ =	shalt  }
0x80: {  	_ =	shalt  }
0x81: {  	_ =	shalt  }
0x82: {  	_ =	shalt  }
0x83: {  	_ =	shalt  }
0x84: {  	_ =	shalt  }
0x85: {  	_ =	shalt  }
0x86: {  	_ =	shalt  }
0x87: {  	_ =	shalt  }
.Lfunc_end0:
.L_simem_size_0:
called_computation.2_lowered:
.L_overlay_start_0:
0x88: {  	s2 =	sld [smem:$0x3FD9]  }
0x89: {  	s3 =	sld [smem:$0x3FFE];
	_ =	sdelay $0x1  }
0x8a: {  	s1 =	srdreg.scid  }
0x8b: {  	s0 =	sand.u32 $0x1, s1  }
0x8c: {  	s17 =	sshll.u32 s0, $0xA;
	s2 =	sadd.s32 s3, s2  }
0x8d: {  	s2 =	sadd.s32 s2, s17  }
0x8e: {  	[smem:$0x3FC6] =	sst s2  }
0x8f: {  	_ = 	snop  }
0x90: {  	s2 =	sld [smem:$0x3FD0];
	(tm) =	ssettm $0x1  }
0x91: {  	s18 =	sld [smem:$0x3FFB];
	_ =	sdelay $0x3  }
0x92: {  	_ =	strace s18  }
0x93: {  	s3 =	sld [smem:$0x3FFC];
	_ =	sdelay $0x3  }
0x94: {  	_ =	strace s3  }
0x95: {  	s3 =	sld [smem:$0x3FFD];
	_ =	sdelay $0x3  }
0x96: {  	_ =	strace s3  }
0x97: {  	_ =	strace $0x8FFFFFFF  }
0x98: {  	s19 =	sld [smem:$0x3FDB];
	_ =	sdelay $0x1  }
0x99: {  	s4 =	simm.s32 $_scs_section_size  }
0x9a: {  	s5 =	simm.s32 $_size__tile_overlayer_lowered;
	s6 =	simm.s32 $_tile_overlayer_lowered  }
0x9b: {  	s22 =	simm.s32 $0x1BFF;
	s21 =	sshll.u32 s6, $0x1;
	s3 =	sadd.s32 s4, s19  }
0x9c: {  	s7 =	simm.s32 $0x0;
	s20 =	sshll.u32 s5, $0x1;
	s5 =	sadd.s32 s21, s3  }
0x9d: {  	[timem:s7], [sflag:s22] =	dma.local [hbm:s5], s20  }
0x9e: {  	_ =	swait.ge [sflag:s22], s20  }
0x9f: {  	s4 =	ssub.s32 $0x0, s20;
	[sflag:s22] =	ssyncset.done $0x0  }
0xa0: {  	[sflag:s22] =	ssyncadd.s32 s4;
	_ =	sdelay $0x1  }
0xa1: {  	s23 =	simm.s32 $0x1B8B  }
0xa2: {  	_ =	swait.ge [sflag:s23], $0x1  }
0xa3: {  	[sflag:s23] =	ssyncset.done $0x0  }
0xa4: {  	s25 =	simm.s32 $0x1B8E;
	s24 =	sld [smem:$0x3FFE];
	[sflag:s23] =	ssyncadd.s32 $0xFFFFFFFF  }
0xa5: {  	s26 =	simm.s32 $execute0_lowered;
	[smem:$0x3FD2] =	sst s25  }
0xa6: {  	s5 =	sshll.u32 s26, $0x1;
	_ =	strace $0x80000046;
	[dreg:$0x1] =	wrdreg $0xFFFFFFFF  }
0xa7: {  	s28 =	simm.s32 $_size_execute0_lowered;
	s3 =	sadd.s32 s3, s5;
	[dreg:$0x0] =	wrdreg $0x0  }
0xa8: {  	s5 =	sshll.u32 s28, $0x1;
	[dreg:$0x2] =	wrdreg s3  }
0xa9: {  	[dreg:$0x3] =	wrdreg s5  }
0xaa: {  	[dreg:$0x4] =	wrdreg $0xC0  }
0xab: {  	_ =	task [dreg:s7], $0x5FFFF  }
0xac: {  	[dreg:$0x1] =	wrdreg $0xFFFFFFFF  }
0xad: {  	[dreg:$0x0] =	wrdreg $0x60  }
0xae: {  	[dreg:$0x2] =	wrdreg s24  }
0xaf: {  	[dreg:$0x3] =	wrdreg s2  }
0xb0: {  	[dreg:$0x4] =	wrdreg $0x9  }
0xb1: {  	_ =	task.clear_ibuf [dreg:s7], $0x5FFFF;
	_ =	strace $0x90000046  }
0xb2: {  	s29 =	simm.s32 $0x9;
	_ =	strace $0x80000048  }
0xb3: {  	_ =	swait.ge [sflag:s29], $0x1  }
0xb4: {  	[sflag:s29] =	ssyncadd.s32 $0xFFFFFFFF  }
0xb5: {  	_ =	strace $0x90000048  }
0xb6: {  	_ =	sfence  }
0xb7: {  	s30 =	sld [smem:$0x0];
	_ =	sdelay $0x2  }
0xb8: {  	s31 =	sshll.u32 s1, $0xD;
	s1 =	sshrl.u32 s1, $0x2  }
0xb9: {  	s3 =	sand.u32 $0x4000, s31;
	s1 =	sadd.s32 s1, s30  }
0xba: {  	s0 =	sor.u32 s3, s0;
	s1 =	sshll.u32 s1, $0x11  }
0xbb: {  	s0 =	sor.u32 s1, s0  }
0xbc: {  	s0 =	sadd.s32 $0x8F2B, s0  }
0xbd: {  	[sflag:s0] =	ssyncadd.remote.s32 $0x1  }
0xbe: {  	_ =	sfence.sel $0xFFFF  }
0xbf: {  	[dreg:$0x0] =	wrdreg $0xFFFFFFFF;
	(pc) =	sbr.abs _section_cstart, $3  }
0xc0: {  	[dreg:$0x1] =	wrdreg $0xFFFFFFFF  }
0xc1: {  	_ =	task.clear_ibuf [dreg:s7], $0x2FFFF;
	_ =	strace $0x9FFFFFFF  }
0xc2: {  	(tm) =	ssettm $0x7FFFFFFF  }
0xc3: {  	_ =	shalt  }
tec
execute0_lowered:
.L_overlay_start_1:
0x0: {  	(tag) =	ssettag $0x1  }
0x1: {  	s3 =	rddreg [dreg:$0x0]  }
0x2: {  	s1 =	srdreg.scid;
	s4 =	rddreg [dreg:$0x1]  }
0x3: {  	s2 =	simm.s32 $0x0;
	s5 =	sand.u32 $0x1, s1;
	s1 =	rddreg [dreg:$0x2]  }
0x4: {  	s9 =	simm.s32 $0x7400;
	[smem:$0x7FF] =	sst s2  }
0x5: {  	s10 =	simm.s32 $0x8400;
	_ =	strace $0x80000047;
	[dreg:$0x4] =	wrdreg s9  }
0x6: {  	s11 =	simm.s32 $0x9400;
	[dreg:$0x5] =	wrdreg s10  }
0x7: {  	s12 =	simm.s32 $0xA400;
	[dreg:$0x6] =	wrdreg s11  }
0x8: {  	s13 =	simm.s32 $0xB400;
	[dreg:$0x7] =	wrdreg s12  }
0x9: {  	s14 =	simm.s32 $0xC400;
	[dreg:$0x8] =	wrdreg s13  }
0xa: {  	s15 =	simm.s32 $0xD400;
	[dreg:$0x9] =	wrdreg s14  }
0xb: {  	s16 =	simm.s32 $0xE400;
	[dreg:$0xa] =	wrdreg s15  }
0xc: {  	s17 =	simm.s32 $0xF400;
	[dreg:$0xb] =	wrdreg s16  }
0xd: {  	s19 =	simm.s32 $0x10400;
	[dreg:$0xc] =	wrdreg s17  }
0xe: {  	s20 =	simm.s32 $0x11400;
	[dreg:$0xd] =	wrdreg s19  }
0xf: {  	s21 =	simm.s32 $0x12400;
	[dreg:$0xe] =	wrdreg s20  }
0x10: {  	s22 =	simm.s32 $0x13400;
	[dreg:$0xf] =	wrdreg s21  }
0x11: {  	s23 =	simm.s32 $0x14400;
	[dreg:$0x10] =	wrdreg s22  }
0x12: {  	s24 =	simm.s32 $0x15400;
	[dreg:$0x11] =	wrdreg s23  }
0x13: {  	s25 =	simm.s32 $0x16400;
	[dreg:$0x12] =	wrdreg s24  }
0x14: {  	s28 =	simm.s32 $0x17400;
	[dreg:$0x13] =	wrdreg s25  }
0x15: {  	s29 =	simm.s32 $0x18400;
	[dreg:$0x14] =	wrdreg s28  }
0x16: {  	s30 =	simm.s32 $0x19400;
	[dreg:$0x15] =	wrdreg s29  }
0x17: {  	s0 =	stileid.u32;
	s31 =	simm.s32 $0x1A400;
	[dreg:$0x16] =	wrdreg s30  }
0x18: {  	s8 =	simm.s32 $0x1B400;
	s6 =	smul.u32 $0x32000, s0;
	[dreg:$0x17] =	wrdreg s31  }
0x19: {  	s18 =	sshll.u32 s0, $0x1;
	s7 =	smul.u32 $0x19000, s5;
	[dreg:$0x18] =	wrdreg s8  }
0x1a: {  	s9 =	simm.s32 $0x1C400;
	s8 =	simm.s32 $0x6400;
	s10 =	simm.s32 $0x1E400  }
0x1b: {  	s11 =	simm.s32 $0x1;
	s12 =	simm.s32 $0x0;
	s4 =	sadd.s32 s6, s4  }
0x1c: {  	s6 =	sor.u32 s5, s18;
	s5 =	ssub.s32 $0x2, s5;
	[dreg:$0x19] =	wrdreg s9  }
0x1d: {  	s9 =	simm.s32 $0x1D400;
	s4 =	sadd.s32 s7, s4;
	s6 =	smul.u32 $0xC80, s6  }
0x1e: {  	s26 =	sshrl.u32 s5, $0x1;
	s7 =	simm.s32 $0x80;
	[dreg:$0x3] =	wrdreg s4  }
0x1f: {  	s5 =	ssub.s32 s5, s26;
	s6 =	sadd.s32 s6, s3;
	s3 =	sadd.s32 $0xF43200, s3  }
0x20: {  	s5 =	smax.u32 s5, $0x1;
	s4 =	sadd.s32 $0xE00, s6;
	s6 =	simm.s32 $0x2  }
.LBB2_1:
0x21: {  	[tilespmem:s2], [sflag:$0x2] =	stream.linear.gather [hbm4b:s4+s2], $0x6400, $0x38;
	[tilespmem:$0x1F400] =	vst v63  }
0x22: {  	_ =	swait.ge [sflag:s6], $0x6400  }
0x23: {  	[sflag:s6] =	ssyncset.done $0x0  }
0x24: {  	s13 =	simm.s32 $0x0;
	[sflag:s6] =	ssyncadd.s32 $0xFFFF9C00  }
0x25: {  	[tilespmem:s8], [sflag:$0x1] =	stream.indirect.gather [hbm4b:s3+s7], $0x20, s13, s7, $0xb8;
	[tilespmem:$0x1F400] =	vst v63  }
0x26: {  	s18 =	simm.s32 $0x80;
	s14 =	rddreg [dreg:$0x4]  }
0x27: {  	[tilespmem:s14], [sflag:$0x1] =	stream.indirect.gather [hbm4b:s3+s7], $0x20, s18, s7, $0xb8;
	[tilespmem:$0x1F400] =	vst v63  }
0x28: {  	s20 =	simm.s32 $0x100;
	s15 =	rddreg [dreg:$0x5]  }
0x29: {  	[tilespmem:s15], [sflag:$0x1] =	stream.indirect.gather [hbm4b:s3+s7], $0x20, s20, s7, $0xb8;
	[tilespmem:$0x1F400] =	vst v63  }
0x2a: {  	s21 =	simm.s32 $0x180;
	s19 =	rddreg [dreg:$0x6]  }
0x2b: {  	[tilespmem:s19], [sflag:$0x1] =	stream.indirect.gather [hbm4b:s3+s7], $0x20, s21, s7, $0xb8;
	[tilespmem:$0x1F400] =	vst v63  }
0x2c: {  	s24 =	simm.s32 $0x200;
	s22 =	rddreg [dreg:$0x7]  }
0x2d: {  	[tilespmem:s22], [sflag:$0x1] =	stream.indirect.gather [hbm4b:s3+s7], $0x20, s24, s7, $0xb8;
	[tilespmem:$0x1F400] =	vst v63  }
0x2e: {  	s25 =	simm.s32 $0x280;
	s23 =	rddreg [dreg:$0x8]  }
0x2f: {  	[tilespmem:s23], [sflag:$0x1] =	stream.indirect.gather [hbm4b:s3+s7], $0x20, s25, s7, $0xb8;
	[tilespmem:$0x1F400] =	vst v63  }
0x30: {  	s28 =	simm.s32 $0x300;
	s26 =	rddreg [dreg:$0x9]  }
0x31: {  	[tilespmem:s26], [sflag:$0x1] =	stream.indirect.gather [hbm4b:s3+s7], $0x20, s28, s7, $0xb8;
	[tilespmem:$0x1F400] =	vst v63  }
0x32: {  	s30 =	simm.s32 $0x380;
	s29 =	rddreg [dreg:$0xa]  }
0x33: {  	[tilespmem:s29], [sflag:$0x1] =	stream.indirect.gather [hbm4b:s3+s7], $0x20, s30, s7, $0xb8;
	[tilespmem:$0x1F400] =	vst v63  }
0x34: {  	s31 =	rddreg [dreg:$0xb];
	s14 =	simm.s32 $0x400  }
0x35: {  	[tilespmem:s31], [sflag:$0x1] =	stream.indirect.gather [hbm4b:s3+s7], $0x20, s14, s7, $0xb8;
	[tilespmem:$0x1F400] =	vst v63  }
0x36: {  	s16 =	rddreg [dreg:$0xc];
	s18 =	simm.s32 $0x480  }
0x37: {  	[tilespmem:s16], [sflag:$0x1] =	stream.indirect.gather [hbm4b:s3+s7], $0x20, s18, s7, $0xb8;
	[tilespmem:$0x1F400] =	vst v63  }
0x38: {  	s17 =	rddreg [dreg:$0xd];
	s19 =	simm.s32 $0x500  }
0x39: {  	[tilespmem:s17], [sflag:$0x1] =	stream.indirect.gather [hbm4b:s3+s7], $0x20, s19, s7, $0xb8;
	[tilespmem:$0x1F400] =	vst v63  }
0x3a: {  	s20 =	rddreg [dreg:$0xe];
	s22 =	simm.s32 $0x580  }
0x3b: {  	[tilespmem:s20], [sflag:$0x1] =	stream.indirect.gather [hbm4b:s3+s7], $0x20, s22, s7, $0xb8;
	[tilespmem:$0x1F400] =	vst v63  }
0x3c: {  	s21 =	rddreg [dreg:$0xf];
	s23 =	simm.s32 $0x600  }
0x3d: {  	[tilespmem:s21], [sflag:$0x1] =	stream.indirect.gather [hbm4b:s3+s7], $0x20, s23, s7, $0xb8;
	[tilespmem:$0x1F400] =	vst v63  }
0x3e: {  	s24 =	rddreg [dreg:$0x10];
	s25 =	simm.s32 $0x680  }
0x3f: {  	[tilespmem:s24], [sflag:$0x1] =	stream.indirect.gather [hbm4b:s3+s7], $0x20, s25, s7, $0xb8;
	[tilespmem:$0x1F400] =	vst v63  }
0x40: {  	s26 =	rddreg [dreg:$0x11];
	s28 =	simm.s32 $0x700  }
0x41: {  	[tilespmem:s26], [sflag:$0x1] =	stream.indirect.gather [hbm4b:s3+s7], $0x20, s28, s7, $0xb8;
	[tilespmem:$0x1F400] =	vst v63  }
0x42: {  	s29 =	rddreg [dreg:$0x12];
	s31 =	simm.s32 $0x780  }
0x43: {  	[tilespmem:s29], [sflag:$0x1] =	stream.indirect.gather [hbm4b:s3+s7], $0x20, s31, s7, $0xb8;
	[tilespmem:$0x1F400] =	vst v63  }
0x44: {  	s15 =	simm.s32 $0x800;
	s30 =	rddreg [dreg:$0x13]  }
0x45: {  	[tilespmem:s30], [sflag:$0x1] =	stream.indirect.gather [hbm4b:s3+s7], $0x20, s15, s7, $0xb8;
	[tilespmem:$0x1F400] =	vst v63  }
0x46: {  	s16 =	rddreg [dreg:$0x14];
	s17 =	simm.s32 $0x880  }
0x47: {  	[tilespmem:s16], [sflag:$0x1] =	stream.indirect.gather [hbm4b:s3+s7], $0x20, s17, s7, $0xb8;
	[tilespmem:$0x1F400] =	vst v63  }
0x48: {  	s18 =	rddreg [dreg:$0x15];
	s19 =	simm.s32 $0x900  }
0x49: {  	[tilespmem:s18], [sflag:$0x1] =	stream.indirect.gather [hbm4b:s3+s7], $0x20, s19, s7, $0xb8;
	[tilespmem:$0x1F400] =	vst v63  }
0x4a: {  	s20 =	rddreg [dreg:$0x16];
	s21 =	simm.s32 $0x980  }
0x4b: {  	[tilespmem:s20], [sflag:$0x1] =	stream.indirect.gather [hbm4b:s3+s7], $0x20, s21, s7, $0xb8;
	[tilespmem:$0x1F400] =	vst v63  }
0x4c: {  	s22 =	rddreg [dreg:$0x17];
	s23 =	simm.s32 $0xA00  }
0x4d: {  	[tilespmem:s22], [sflag:$0x1] =	stream.indirect.gather [hbm4b:s3+s7], $0x20, s23, s7, $0xb8;
	[tilespmem:$0x1F400] =	vst v63  }
0x4e: {  	s24 =	rddreg [dreg:$0x18];
	s25 =	simm.s32 $0xA80  }
0x4f: {  	[tilespmem:s24], [sflag:$0x1] =	stream.indirect.gather [hbm4b:s3+s7], $0x20, s25, s7, $0xb8;
	[tilespmem:$0x1F400] =	vst v63  }
0x50: {  	s26 =	rddreg [dreg:$0x19];
	s28 =	simm.s32 $0xB00  }
0x51: {  	[tilespmem:s26], [sflag:$0x1] =	stream.indirect.gather [hbm4b:s3+s7], $0x20, s28, s7, $0xb8;
	[tilespmem:$0x1F400] =	vst v63  }
0x52: {  	s29 =	simm.s32 $0xB80  }
0x53: {  	[tilespmem:s9], [sflag:$0x1] =	stream.indirect.gather [hbm4b:s3+s7], $0x20, s29, s7, $0xb8;
	[tilespmem:$0x1F400] =	vst v63  }
0x54: {  	s30 =	simm.s32 $0xC00  }
0x55: {  	[tilespmem:s10], [sflag:$0x1] =	stream.indirect.gather [hbm4b:s3+s7], $0x20, s30, s7, $0xb8;
	[tilespmem:$0x1F400] =	vst v63  }
0x56: {  	_ =	swait.ge [sflag:s11], $0x1000  }
0x57: {  	[sflag:s11] =	ssyncset.done $0x0  }
0x58: {  	[sflag:s11] =	ssyncadd.s32 $0xFFFFF000  }
0x59: {  	_ =	swait.ge [sflag:s11], $0x1000  }
0x5a: {  	[sflag:s11] =	ssyncset.done $0x0  }
0x5b: {  	[sflag:s11] =	ssyncadd.s32 $0xFFFFF000  }
0x5c: {  	_ =	swait.ge [sflag:s11], $0x1000  }
0x5d: {  	[sflag:s11] =	ssyncset.done $0x0  }
0x5e: {  	[sflag:s11] =	ssyncadd.s32 $0xFFFFF000  }
0x5f: {  	_ =	swait.ge [sflag:s11], $0x1000  }
0x60: {  	[sflag:s11] =	ssyncset.done $0x0  }
0x61: {  	[sflag:s11] =	ssyncadd.s32 $0xFFFFF000  }
0x62: {  	_ =	swait.ge [sflag:s11], $0x1000  }
0x63: {  	[sflag:s11] =	ssyncset.done $0x0  }
0x64: {  	[sflag:s11] =	ssyncadd.s32 $0xFFFFF000  }
0x65: {  	_ =	swait.ge [sflag:s11], $0x1000  }
0x66: {  	[sflag:s11] =	ssyncset.done $0x0  }
0x67: {  	[sflag:s11] =	ssyncadd.s32 $0xFFFFF000  }
0x68: {  	_ =	swait.ge [sflag:s11], $0x1000  }
0x69: {  	[sflag:s11] =	ssyncset.done $0x0  }
0x6a: {  	[sflag:s11] =	ssyncadd.s32 $0xFFFFF000  }
0x6b: {  	_ =	swait.ge [sflag:s11], $0x1000  }
0x6c: {  	[sflag:s11] =	ssyncset.done $0x0  }
0x6d: {  	[sflag:s11] =	ssyncadd.s32 $0xFFFFF000  }
0x6e: {  	_ =	swait.ge [sflag:s11], $0x1000  }
0x6f: {  	[sflag:s11] =	ssyncset.done $0x0  }
0x70: {  	[sflag:s11] =	ssyncadd.s32 $0xFFFFF000  }
0x71: {  	_ =	swait.ge [sflag:s11], $0x1000  }
0x72: {  	[sflag:s11] =	ssyncset.done $0x0  }
0x73: {  	[sflag:s11] =	ssyncadd.s32 $0xFFFFF000  }
0x74: {  	_ =	swait.ge [sflag:s11], $0x1000  }
0x75: {  	[sflag:s11] =	ssyncset.done $0x0  }
0x76: {  	[sflag:s11] =	ssyncadd.s32 $0xFFFFF000  }
0x77: {  	_ =	swait.ge [sflag:s11], $0x1000  }
0x78: {  	[sflag:s11] =	ssyncset.done $0x0  }
0x79: {  	[sflag:s11] =	ssyncadd.s32 $0xFFFFF000  }
0x7a: {  	_ =	swait.ge [sflag:s11], $0x1000  }
0x7b: {  	[sflag:s11] =	ssyncset.done $0x0  }
0x7c: {  	[sflag:s11] =	ssyncadd.s32 $0xFFFFF000  }
0x7d: {  	_ =	swait.ge [sflag:s11], $0x1000  }
0x7e: {  	[sflag:s11] =	ssyncset.done $0x0  }
0x7f: {  	[sflag:s11] =	ssyncadd.s32 $0xFFFFF000  }
0x80: {  	_ =	swait.ge [sflag:s11], $0x1000  }
0x81: {  	[sflag:s11] =	ssyncset.done $0x0  }
0x82: {  	[sflag:s11] =	ssyncadd.s32 $0xFFFFF000  }
0x83: {  	_ =	swait.ge [sflag:s11], $0x1000  }
0x84: {  	[sflag:s11] =	ssyncset.done $0x0  }
0x85: {  	[sflag:s11] =	ssyncadd.s32 $0xFFFFF000  }
0x86: {  	_ =	swait.ge [sflag:s11], $0x1000  }
0x87: {  	[sflag:s11] =	ssyncset.done $0x0  }
0x88: {  	[sflag:s11] =	ssyncadd.s32 $0xFFFFF000  }
0x89: {  	_ =	swait.ge [sflag:s11], $0x1000  }
0x8a: {  	[sflag:s11] =	ssyncset.done $0x0  }
0x8b: {  	[sflag:s11] =	ssyncadd.s32 $0xFFFFF000  }
0x8c: {  	_ =	swait.ge [sflag:s11], $0x1000  }
0x8d: {  	[sflag:s11] =	ssyncset.done $0x0  }
0x8e: {  	[sflag:s11] =	ssyncadd.s32 $0xFFFFF000  }
0x8f: {  	_ =	swait.ge [sflag:s11], $0x1000  }
0x90: {  	[sflag:s11] =	ssyncset.done $0x0  }
0x91: {  	[sflag:s11] =	ssyncadd.s32 $0xFFFFF000  }
0x92: {  	_ =	swait.ge [sflag:s11], $0x1000  }
0x93: {  	[sflag:s11] =	ssyncset.done $0x0  }
0x94: {  	[sflag:s11] =	ssyncadd.s32 $0xFFFFF000  }
0x95: {  	_ =	swait.ge [sflag:s11], $0x1000  }
0x96: {  	[sflag:s11] =	ssyncset.done $0x0  }
0x97: {  	[sflag:s11] =	ssyncadd.s32 $0xFFFFF000  }
0x98: {  	_ =	swait.ge [sflag:s11], $0x1000  }
0x99: {  	[sflag:s11] =	ssyncset.done $0x0  }
0x9a: {  	[sflag:s11] =	ssyncadd.s32 $0xFFFFF000  }
0x9b: {  	_ =	swait.ge [sflag:s11], $0x1000  }
0x9c: {  	[sflag:s11] =	ssyncset.done $0x0  }
0x9d: {  	[sflag:s11] =	ssyncadd.s32 $0xFFFFF000  }
0x9e: {  	_ =	swait.ge [sflag:s11], $0x1000  }
0x9f: {  	s31 =	rddreg [dreg:$0x3];
	[sflag:s11] =	ssyncset.done $0x0  }
0xa0: {  	s14 =	simm.s32 $0xC80;
	[sflag:s11] =	ssyncadd.s32 $0xFFFFF000;
	s13 =	sadd.s32 $0x0, s31  }
0xa1: {  	[hbm4b:s13+s2] =	stream.linear.scatter [tilespmem:s8], [sflag:$0x2], $0x19000, $0x38;
	[tilespmem:$0x1F400] =	vst v63  }
0xa2: {  	s18 =	simm.s32 $0x6400;
	s13 =	simm.s32 $0x3200;
	_ =	swait.ge [sflag:s6], $0x19000  }
.LBB2_2:
0xa3: {  	[sflag:s6] =	ssyncset.done $0x0  }
0xa4: {  	[sflag:s6] =	ssyncadd.s32 $0xFFFE7000  }
0xa5: {  	[tilespmem:s8], [sflag:$0x1] =	stream.indirect.gather [hbm4b:s3+s7], $0x20, s14, s7, $0xb8;
	[tilespmem:$0x1F400] =	vst v63  }
0xa6: {  	s19 =	rddreg [dreg:$0x4];
	s20 =	sadd.s32 $0x80, s14  }
0xa7: {  	[tilespmem:s19], [sflag:$0x1] =	stream.indirect.gather [hbm4b:s3+s7], $0x20, s20, s7, $0xb8;
	[tilespmem:$0x1F400] =	vst v63  }
0xa8: {  	s22 =	sadd.s32 $0x100, s14;
	s23 =	rddreg [dreg:$0x5]  }
0xa9: {  	[tilespmem:s23], [sflag:$0x1] =	stream.indirect.gather [hbm4b:s3+s7], $0x20, s22, s7, $0xb8;
	[tilespmem:$0x1F400] =	vst v63  }
0xaa: {  	s21 =	rddreg [dreg:$0x6];
	s20 =	sadd.s32 $0x180, s14  }
0xab: {  	[tilespmem:s21], [sflag:$0x1] =	stream.indirect.gather [hbm4b:s3+s7], $0x20, s20, s7, $0xb8;
	[tilespmem:$0x1F400] =	vst v63  }
0xac: {  	s25 =	sadd.s32 $0x200, s14;
	s26 =	rddreg [dreg:$0x7]  }
0xad: {  	[tilespmem:s26], [sflag:$0x1] =	stream.indirect.gather [hbm4b:s3+s7], $0x20, s25, s7, $0xb8;
	[tilespmem:$0x1F400] =	vst v63  }
0xae: {  	s24 =	rddreg [dreg:$0x8];
	s28 =	sadd.s32 $0x280, s14  }
0xaf: {  	[tilespmem:s24], [sflag:$0x1] =	stream.indirect.gather [hbm4b:s3+s7], $0x20, s28, s7, $0xb8;
	[tilespmem:$0x1F400] =	vst v63  }
0xb0: {  	s29 =	rddreg [dreg:$0x9];
	s30 =	sadd.s32 $0x300, s14  }
0xb1: {  	[tilespmem:s29], [sflag:$0x1] =	stream.indirect.gather [hbm4b:s3+s7], $0x20, s30, s7, $0xb8;
	[tilespmem:$0x1F400] =	vst v63  }
0xb2: {  	s31 =	rddreg [dreg:$0xa];
	s23 =	sadd.s32 $0x380, s14  }
0xb3: {  	[tilespmem:s31], [sflag:$0x1] =	stream.indirect.gather [hbm4b:s3+s7], $0x20, s23, s7, $0xb8;
	[tilespmem:$0x1F400] =	vst v63  }
0xb4: {  	s25 =	sadd.s32 $0x400, s14;
	s26 =	rddreg [dreg:$0xb]  }
0xb5: {  	[tilespmem:s26], [sflag:$0x1] =	stream.indirect.gather [hbm4b:s3+s7], $0x20, s25, s7, $0xb8;
	[tilespmem:$0x1F400] =	vst v63  }
0xb6: {  	s28 =	sadd.s32 $0x480, s14;
	s29 =	rddreg [dreg:$0xc]  }
0xb7: {  	[tilespmem:s29], [sflag:$0x1] =	stream.indirect.gather [hbm4b:s3+s7], $0x20, s28, s7, $0xb8;
	[tilespmem:$0x1F400] =	vst v63  }
0xb8: {  	s24 =	rddreg [dreg:$0xd];
	s30 =	sadd.s32 $0x500, s14  }
0xb9: {  	[tilespmem:s24], [sflag:$0x1] =	stream.indirect.gather [hbm4b:s3+s7], $0x20, s30, s7, $0xb8;
	[tilespmem:$0x1F400] =	vst v63  }
0xba: {  	s22 =	sadd.s32 $0x580, s14;
	s23 =	rddreg [dreg:$0xe]  }
0xbb: {  	[tilespmem:s23], [sflag:$0x1] =	stream.indirect.gather [hbm4b:s3+s7], $0x20, s22, s7, $0xb8;
	[tilespmem:$0x1F400] =	vst v63  }
0xbc: {  	s31 =	rddreg [dreg:$0xf];
	s24 =	sadd.s32 $0x600, s14  }
0xbd: {  	[tilespmem:s31], [sflag:$0x1] =	stream.indirect.gather [hbm4b:s3+s7], $0x20, s24, s7, $0xb8;
	[tilespmem:$0x1F400] =	vst v63  }
0xbe: {  	s25 =	rddreg [dreg:$0x10];
	s26 =	sadd.s32 $0x680, s14  }
0xbf: {  	[tilespmem:s25], [sflag:$0x1] =	stream.indirect.gather [hbm4b:s3+s7], $0x20, s26, s7, $0xb8;
	[tilespmem:$0x1F400] =	vst v63  }
0xc0: {  	s28 =	sadd.s32 $0x700, s14;
	s29 =	rddreg [dreg:$0x11]  }
0xc1: {  	[tilespmem:s29], [sflag:$0x1] =	stream.indirect.gather [hbm4b:s3+s7], $0x20, s28, s7, $0xb8;
	[tilespmem:$0x1F400] =	vst v63  }
0xc2: {  	s30 =	sadd.s32 $0x780, s14;
	s31 =	rddreg [dreg:$0x12]  }
0xc3: {  	[tilespmem:s31], [sflag:$0x1] =	stream.indirect.gather [hbm4b:s3+s7], $0x20, s30, s7, $0xb8;
	[tilespmem:$0x1F400] =	vst v63  }
0xc4: {  	s22 =	rddreg [dreg:$0x13];
	s23 =	sadd.s32 $0x800, s14  }
0xc5: {  	[tilespmem:s22], [sflag:$0x1] =	stream.indirect.gather [hbm4b:s3+s7], $0x20, s23, s7, $0xb8;
	[tilespmem:$0x1F400] =	vst v63  }
0xc6: {  	s24 =	rddreg [dreg:$0x14];
	s25 =	sadd.s32 $0x880, s14  }
0xc7: {  	[tilespmem:s24], [sflag:$0x1] =	stream.indirect.gather [hbm4b:s3+s7], $0x20, s25, s7, $0xb8;
	[tilespmem:$0x1F400] =	vst v63  }
0xc8: {  	s26 =	rddreg [dreg:$0x15];
	s28 =	sadd.s32 $0x900, s14  }
0xc9: {  	[tilespmem:s26], [sflag:$0x1] =	stream.indirect.gather [hbm4b:s3+s7], $0x20, s28, s7, $0xb8;
	[tilespmem:$0x1F400] =	vst v63  }
0xca: {  	s29 =	rddreg [dreg:$0x16];
	s30 =	sadd.s32 $0x980, s14  }
0xcb: {  	[tilespmem:s29], [sflag:$0x1] =	stream.indirect.gather [hbm4b:s3+s7], $0x20, s30, s7, $0xb8;
	[tilespmem:$0x1F400] =	vst v63  }
0xcc: {  	s31 =	rddreg [dreg:$0x17];
	s23 =	sadd.s32 $0xA00, s14  }
0xcd: {  	[tilespmem:s31], [sflag:$0x1] =	stream.indirect.gather [hbm4b:s3+s7], $0x20, s23, s7, $0xb8;
	[tilespmem:$0x1F400] =	vst v63  }
0xce: {  	s24 =	rddreg [dreg:$0x18];
	s25 =	sadd.s32 $0xA80, s14  }
0xcf: {  	[tilespmem:s24], [sflag:$0x1] =	stream.indirect.gather [hbm4b:s3+s7], $0x20, s25, s7, $0xb8;
	[tilespmem:$0x1F400] =	vst v63  }
0xd0: {  	s26 =	rddreg [dreg:$0x19];
	s28 =	sadd.s32 $0xB00, s14  }
0xd1: {  	[tilespmem:s26], [sflag:$0x1] =	stream.indirect.gather [hbm4b:s3+s7], $0x20, s28, s7, $0xb8;
	[tilespmem:$0x1F400] =	vst v63  }
0xd2: {  	s29 =	sadd.s32 $0xB80, s14  }
0xd3: {  	[tilespmem:s9], [sflag:$0x1] =	stream.indirect.gather [hbm4b:s3+s7], $0x20, s29, s7, $0xb8;
	[tilespmem:$0x1F400] =	vst v63  }
0xd4: {  	s30 =	sadd.s32 $0xC00, s14  }
0xd5: {  	[tilespmem:s10], [sflag:$0x1] =	stream.indirect.gather [hbm4b:s3+s7], $0x20, s30, s7, $0xb8;
	[tilespmem:$0x1F400] =	vst v63  }
0xd6: {  	_ =	swait.ge [sflag:s11], $0x1000  }
0xd7: {  	[sflag:s11] =	ssyncset.done $0x0  }
0xd8: {  	[sflag:s11] =	ssyncadd.s32 $0xFFFFF000  }
0xd9: {  	_ =	swait.ge [sflag:s11], $0x1000  }
0xda: {  	[sflag:s11] =	ssyncset.done $0x0  }
0xdb: {  	[sflag:s11] =	ssyncadd.s32 $0xFFFFF000  }
0xdc: {  	_ =	swait.ge [sflag:s11], $0x1000  }
0xdd: {  	[sflag:s11] =	ssyncset.done $0x0  }
0xde: {  	[sflag:s11] =	ssyncadd.s32 $0xFFFFF000  }
0xdf: {  	_ =	swait.ge [sflag:s11], $0x1000  }
0xe0: {  	[sflag:s11] =	ssyncset.done $0x0  }
0xe1: {  	[sflag:s11] =	ssyncadd.s32 $0xFFFFF000  }
0xe2: {  	_ =	swait.ge [sflag:s11], $0x1000  }
0xe3: {  	[sflag:s11] =	ssyncset.done $0x0  }
0xe4: {  	[sflag:s11] =	ssyncadd.s32 $0xFFFFF000  }
0xe5: {  	_ =	swait.ge [sflag:s11], $0x1000  }
0xe6: {  	[sflag:s11] =	ssyncset.done $0x0  }
0xe7: {  	[sflag:s11] =	ssyncadd.s32 $0xFFFFF000  }
0xe8: {  	_ =	swait.ge [sflag:s11], $0x1000  }
0xe9: {  	[sflag:s11] =	ssyncset.done $0x0  }
0xea: {  	[sflag:s11] =	ssyncadd.s32 $0xFFFFF000  }
0xeb: {  	_ =	swait.ge [sflag:s11], $0x1000  }
0xec: {  	[sflag:s11] =	ssyncset.done $0x0  }
0xed: {  	[sflag:s11] =	ssyncadd.s32 $0xFFFFF000  }
0xee: {  	_ =	swait.ge [sflag:s11], $0x1000  }
0xef: {  	[sflag:s11] =	ssyncset.done $0x0  }
0xf0: {  	[sflag:s11] =	ssyncadd.s32 $0xFFFFF000  }
0xf1: {  	_ =	swait.ge [sflag:s11], $0x1000  }
0xf2: {  	[sflag:s11] =	ssyncset.done $0x0  }
0xf3: {  	[sflag:s11] =	ssyncadd.s32 $0xFFFFF000  }
0xf4: {  	_ =	swait.ge [sflag:s11], $0x1000  }
0xf5: {  	[sflag:s11] =	ssyncset.done $0x0  }
0xf6: {  	[sflag:s11] =	ssyncadd.s32 $0xFFFFF000  }
0xf7: {  	_ =	swait.ge [sflag:s11], $0x1000  }
0xf8: {  	[sflag:s11] =	ssyncset.done $0x0  }
0xf9: {  	[sflag:s11] =	ssyncadd.s32 $0xFFFFF000  }
0xfa: {  	_ =	swait.ge [sflag:s11], $0x1000  }
0xfb: {  	[sflag:s11] =	ssyncset.done $0x0  }
0xfc: {  	[sflag:s11] =	ssyncadd.s32 $0xFFFFF000  }
0xfd: {  	_ =	swait.ge [sflag:s11], $0x1000  }
0xfe: {  	[sflag:s11] =	ssyncset.done $0x0  }
0xff: {  	[sflag:s11] =	ssyncadd.s32 $0xFFFFF000  }
0x100: {  	_ =	swait.ge [sflag:s11], $0x1000  }
0x101: {  	[sflag:s11] =	ssyncset.done $0x0  }
0x102: {  	[sflag:s11] =	ssyncadd.s32 $0xFFFFF000  }
0x103: {  	_ =	swait.ge [sflag:s11], $0x1000  }
0x104: {  	[sflag:s11] =	ssyncset.done $0x0  }
0x105: {  	[sflag:s11] =	ssyncadd.s32 $0xFFFFF000  }
0x106: {  	_ =	swait.ge [sflag:s11], $0x1000  }
0x107: {  	[sflag:s11] =	ssyncset.done $0x0  }
0x108: {  	[sflag:s11] =	ssyncadd.s32 $0xFFFFF000  }
0x109: {  	_ =	swait.ge [sflag:s11], $0x1000  }
0x10a: {  	[sflag:s11] =	ssyncset.done $0x0  }
0x10b: {  	[sflag:s11] =	ssyncadd.s32 $0xFFFFF000  }
0x10c: {  	_ =	swait.ge [sflag:s11], $0x1000  }
0x10d: {  	[sflag:s11] =	ssyncset.done $0x0  }
0x10e: {  	[sflag:s11] =	ssyncadd.s32 $0xFFFFF000  }
0x10f: {  	_ =	swait.ge [sflag:s11], $0x1000  }
0x110: {  	[sflag:s11] =	ssyncset.done $0x0  }
0x111: {  	[sflag:s11] =	ssyncadd.s32 $0xFFFFF000  }
0x112: {  	_ =	swait.ge [sflag:s11], $0x1000  }
0x113: {  	[sflag:s11] =	ssyncset.done $0x0  }
0x114: {  	[sflag:s11] =	ssyncadd.s32 $0xFFFFF000  }
0x115: {  	_ =	swait.ge [sflag:s11], $0x1000  }
0x116: {  	[sflag:s11] =	ssyncset.done $0x0  }
0x117: {  	[sflag:s11] =	ssyncadd.s32 $0xFFFFF000  }
0x118: {  	_ =	swait.ge [sflag:s11], $0x1000  }
0x119: {  	[sflag:s11] =	ssyncset.done $0x0  }
0x11a: {  	[sflag:s11] =	ssyncadd.s32 $0xFFFFF000  }
0x11b: {  	_ =	swait.ge [sflag:s11], $0x1000  }
0x11c: {  	[sflag:s11] =	ssyncset.done $0x0  }
0x11d: {  	s17 =	sshra.s32 s18, $0x2;
	p0 =	sne.s32 s18, $0x15E00;
	[sflag:s11] =	ssyncadd.s32 $0xFFFFF000  }
.Ltmp0:
0x11e: {  	s15 =	smov.u32 s18;
	_ =	swait.ge [sflag:s11], $0x1000;
	(pc) =	sbr.rel @p0 .LBB2_2-.Ltmp0, $4  }
0x11f: {  	s16 =	sadd.s32 $0x3200, s18;
	s31 =	rddreg [dreg:$0x3];
	[sflag:s11] =	ssyncset.done $0x0  }
0x120: {  	s14 =	smov.u32 s17;
	[sflag:s11] =	ssyncadd.s32 $0xFFFFF000;
	s17 =	sadd.s32 s13, s31  }
0x121: {  	[hbm4b:s17+s2] =	stream.linear.scatter [tilespmem:s8], [sflag:$0x2], $0x19000, $0x38;
	[tilespmem:$0x1F400] =	vst v63  }
0x122: {  	s18 =	smov.u32 s16;
	s13 =	smov.u32 s15;
	_ =	swait.ge [sflag:s6], $0x19000  }
0x123: {  	[sflag:s6] =	ssyncset.done $0x0  }
0x124: {  	[sflag:s6] =	ssyncadd.s32 $0xFFFE7000  }
0x125: {  	[tilespmem:s8], [sflag:$0x1] =	stream.indirect.gather [hbm4b:s3+s7], $0x20, s14, s7, $0xb8;
	[tilespmem:$0x1F400] =	vst v63  }
0x126: {  	s15 =	rddreg [dreg:$0x4];
	s16 =	sadd.s32 $0x80, s14  }
0x127: {  	[tilespmem:s15], [sflag:$0x1] =	stream.indirect.gather [hbm4b:s3+s7], $0x20, s16, s7, $0xb8;
	[tilespmem:$0x1F400] =	vst v63  }
0x128: {  	s17 =	rddreg [dreg:$0x5];
	s31 =	sadd.s32 $0x100, s14  }
0x129: {  	[tilespmem:s17], [sflag:$0x1] =	stream.indirect.gather [hbm4b:s3+s7], $0x20, s31, s7, $0xb8;
	[tilespmem:$0x1F400] =	vst v63  }
0x12a: {  	s30 =	rddreg [dreg:$0x6];
	s17 =	sadd.s32 $0x180, s14  }
0x12b: {  	[tilespmem:s30], [sflag:$0x1] =	stream.indirect.gather [hbm4b:s3+s7], $0x20, s17, s7, $0xb8;
	[tilespmem:$0x1F400] =	vst v63  }
0x12c: {  	s18 =	rddreg [dreg:$0x7];
	s20 =	sadd.s32 $0x200, s14  }
0x12d: {  	[tilespmem:s18], [sflag:$0x1] =	stream.indirect.gather [hbm4b:s3+s7], $0x20, s20, s7, $0xb8;
	[tilespmem:$0x1F400] =	vst v63  }
0x12e: {  	s19 =	rddreg [dreg:$0x8];
	s21 =	sadd.s32 $0x280, s14  }
0x12f: {  	[tilespmem:s19], [sflag:$0x1] =	stream.indirect.gather [hbm4b:s3+s7], $0x20, s21, s7, $0xb8;
	[tilespmem:$0x1F400] =	vst v63  }
0x130: {  	s22 =	rddreg [dreg:$0x9];
	s23 =	sadd.s32 $0x300, s14  }
0x131: {  	[tilespmem:s22], [sflag:$0x1] =	stream.indirect.gather [hbm4b:s3+s7], $0x20, s23, s7, $0xb8;
	[tilespmem:$0x1F400] =	vst v63  }
0x132: {  	s24 =	rddreg [dreg:$0xa];
	s25 =	sadd.s32 $0x380, s14  }
0x133: {  	[tilespmem:s24], [sflag:$0x1] =	stream.indirect.gather [hbm4b:s3+s7], $0x20, s25, s7, $0xb8;
	[tilespmem:$0x1F400] =	vst v63  }
0x134: {  	s26 =	rddreg [dreg:$0xb];
	s28 =	sadd.s32 $0x400, s14  }
0x135: {  	[tilespmem:s26], [sflag:$0x1] =	stream.indirect.gather [hbm4b:s3+s7], $0x20, s28, s7, $0xb8;
	[tilespmem:$0x1F400] =	vst v63  }
0x136: {  	s29 =	rddreg [dreg:$0xc];
	s31 =	sadd.s32 $0x480, s14  }
0x137: {  	[tilespmem:s29], [sflag:$0x1] =	stream.indirect.gather [hbm4b:s3+s7], $0x20, s31, s7, $0xb8;
	[tilespmem:$0x1F400] =	vst v63  }
0x138: {  	s30 =	rddreg [dreg:$0xd];
	s17 =	sadd.s32 $0x500, s14  }
0x139: {  	[tilespmem:s30], [sflag:$0x1] =	stream.indirect.gather [hbm4b:s3+s7], $0x20, s17, s7, $0xb8;
	[tilespmem:$0x1F400] =	vst v63  }
0x13a: {  	s18 =	rddreg [dreg:$0xe];
	s20 =	sadd.s32 $0x580, s14  }
0x13b: {  	[tilespmem:s18], [sflag:$0x1] =	stream.indirect.gather [hbm4b:s3+s7], $0x20, s20, s7, $0xb8;
	[tilespmem:$0x1F400] =	vst v63  }
0x13c: {  	s19 =	rddreg [dreg:$0xf];
	s21 =	sadd.s32 $0x600, s14  }
0x13d: {  	[tilespmem:s19], [sflag:$0x1] =	stream.indirect.gather [hbm4b:s3+s7], $0x20, s21, s7, $0xb8;
	[tilespmem:$0x1F400] =	vst v63  }
0x13e: {  	s22 =	rddreg [dreg:$0x10];
	s23 =	sadd.s32 $0x680, s14  }
0x13f: {  	[tilespmem:s22], [sflag:$0x1] =	stream.indirect.gather [hbm4b:s3+s7], $0x20, s23, s7, $0xb8;
	[tilespmem:$0x1F400] =	vst v63  }
0x140: {  	s24 =	rddreg [dreg:$0x11];
	s25 =	sadd.s32 $0x700, s14  }
0x141: {  	[tilespmem:s24], [sflag:$0x1] =	stream.indirect.gather [hbm4b:s3+s7], $0x20, s25, s7, $0xb8;
	[tilespmem:$0x1F400] =	vst v63  }
0x142: {  	s26 =	rddreg [dreg:$0x12];
	s29 =	sadd.s32 $0x780, s14  }
0x143: {  	[tilespmem:s26], [sflag:$0x1] =	stream.indirect.gather [hbm4b:s3+s7], $0x20, s29, s7, $0xb8;
	[tilespmem:$0x1F400] =	vst v63  }
0x144: {  	s28 =	rddreg [dreg:$0x13];
	s30 =	sadd.s32 $0x800, s14  }
0x145: {  	[tilespmem:s28], [sflag:$0x1] =	stream.indirect.gather [hbm4b:s3+s7], $0x20, s30, s7, $0xb8;
	[tilespmem:$0x1F400] =	vst v63  }
0x146: {  	s16 =	sadd.s32 $0x880, s14;
	s31 =	rddreg [dreg:$0x14]  }
0x147: {  	[tilespmem:s31], [sflag:$0x1] =	stream.indirect.gather [hbm4b:s3+s7], $0x20, s16, s7, $0xb8;
	[tilespmem:$0x1F400] =	vst v63  }
0x148: {  	s18 =	rddreg [dreg:$0x15];
	s19 =	sadd.s32 $0x900, s14  }
0x149: {  	[tilespmem:s18], [sflag:$0x1] =	stream.indirect.gather [hbm4b:s3+s7], $0x20, s19, s7, $0xb8;
	[tilespmem:$0x1F400] =	vst v63  }
0x14a: {  	s20 =	rddreg [dreg:$0x16];
	s21 =	sadd.s32 $0x980, s14  }
0x14b: {  	[tilespmem:s20], [sflag:$0x1] =	stream.indirect.gather [hbm4b:s3+s7], $0x20, s21, s7, $0xb8;
	[tilespmem:$0x1F400] =	vst v63  }
0x14c: {  	s22 =	rddreg [dreg:$0x17];
	s23 =	sadd.s32 $0xA00, s14  }
0x14d: {  	[tilespmem:s22], [sflag:$0x1] =	stream.indirect.gather [hbm4b:s3+s7], $0x20, s23, s7, $0xb8;
	[tilespmem:$0x1F400] =	vst v63  }
0x14e: {  	s24 =	rddreg [dreg:$0x18];
	s25 =	sadd.s32 $0xA80, s14  }
0x14f: {  	[tilespmem:s24], [sflag:$0x1] =	stream.indirect.gather [hbm4b:s3+s7], $0x20, s25, s7, $0xb8;
	[tilespmem:$0x1F400] =	vst v63  }
0x150: {  	s26 =	rddreg [dreg:$0x19];
	s28 =	sadd.s32 $0xB00, s14  }
0x151: {  	[tilespmem:s26], [sflag:$0x1] =	stream.indirect.gather [hbm4b:s3+s7], $0x20, s28, s7, $0xb8;
	[tilespmem:$0x1F400] =	vst v63  }
0x152: {  	s29 =	sadd.s32 $0xB80, s14  }
0x153: {  	[tilespmem:s9], [sflag:$0x1] =	stream.indirect.gather [hbm4b:s3+s7], $0x20, s29, s7, $0xb8;
	[tilespmem:$0x1F400] =	vst v63  }
0x154: {  	s30 =	sadd.s32 $0xC00, s14  }
0x155: {  	[tilespmem:s10], [sflag:$0x1] =	stream.indirect.gather [hbm4b:s3+s7], $0x20, s30, s7, $0xb8;
	[tilespmem:$0x1F400] =	vst v63  }
0x156: {  	_ =	swait.ge [sflag:s11], $0x1000  }
0x157: {  	[sflag:s11] =	ssyncset.done $0x0  }
0x158: {  	[sflag:s11] =	ssyncadd.s32 $0xFFFFF000  }
0x159: {  	_ =	swait.ge [sflag:s11], $0x1000  }
0x15a: {  	[sflag:s11] =	ssyncset.done $0x0  }
0x15b: {  	[sflag:s11] =	ssyncadd.s32 $0xFFFFF000  }
0x15c: {  	_ =	swait.ge [sflag:s11], $0x1000  }
0x15d: {  	[sflag:s11] =	ssyncset.done $0x0  }
0x15e: {  	[sflag:s11] =	ssyncadd.s32 $0xFFFFF000  }
0x15f: {  	_ =	swait.ge [sflag:s11], $0x1000  }
0x160: {  	[sflag:s11] =	ssyncset.done $0x0  }
0x161: {  	[sflag:s11] =	ssyncadd.s32 $0xFFFFF000  }
0x162: {  	_ =	swait.ge [sflag:s11], $0x1000  }
0x163: {  	[sflag:s11] =	ssyncset.done $0x0  }
0x164: {  	[sflag:s11] =	ssyncadd.s32 $0xFFFFF000  }
0x165: {  	_ =	swait.ge [sflag:s11], $0x1000  }
0x166: {  	[sflag:s11] =	ssyncset.done $0x0  }
0x167: {  	[sflag:s11] =	ssyncadd.s32 $0xFFFFF000  }
0x168: {  	_ =	swait.ge [sflag:s11], $0x1000  }
0x169: {  	[sflag:s11] =	ssyncset.done $0x0  }
0x16a: {  	[sflag:s11] =	ssyncadd.s32 $0xFFFFF000  }
0x16b: {  	_ =	swait.ge [sflag:s11], $0x1000  }
0x16c: {  	[sflag:s11] =	ssyncset.done $0x0  }
0x16d: {  	[sflag:s11] =	ssyncadd.s32 $0xFFFFF000  }
0x16e: {  	_ =	swait.ge [sflag:s11], $0x1000  }
0x16f: {  	[sflag:s11] =	ssyncset.done $0x0  }
0x170: {  	[sflag:s11] =	ssyncadd.s32 $0xFFFFF000  }
0x171: {  	_ =	swait.ge [sflag:s11], $0x1000  }
0x172: {  	[sflag:s11] =	ssyncset.done $0x0  }
0x173: {  	[sflag:s11] =	ssyncadd.s32 $0xFFFFF000  }
0x174: {  	_ =	swait.ge [sflag:s11], $0x1000  }
0x175: {  	[sflag:s11] =	ssyncset.done $0x0  }
0x176: {  	[sflag:s11] =	ssyncadd.s32 $0xFFFFF000  }
0x177: {  	_ =	swait.ge [sflag:s11], $0x1000  }
0x178: {  	[sflag:s11] =	ssyncset.done $0x0  }
0x179: {  	[sflag:s11] =	ssyncadd.s32 $0xFFFFF000  }
0x17a: {  	_ =	swait.ge [sflag:s11], $0x1000  }
0x17b: {  	[sflag:s11] =	ssyncset.done $0x0  }
0x17c: {  	[sflag:s11] =	ssyncadd.s32 $0xFFFFF000  }
0x17d: {  	_ =	swait.ge [sflag:s11], $0x1000  }
0x17e: {  	[sflag:s11] =	ssyncset.done $0x0  }
0x17f: {  	[sflag:s11] =	ssyncadd.s32 $0xFFFFF000  }
0x180: {  	_ =	swait.ge [sflag:s11], $0x1000  }
0x181: {  	[sflag:s11] =	ssyncset.done $0x0  }
0x182: {  	[sflag:s11] =	ssyncadd.s32 $0xFFFFF000  }
0x183: {  	_ =	swait.ge [sflag:s11], $0x1000  }
0x184: {  	[sflag:s11] =	ssyncset.done $0x0  }
0x185: {  	[sflag:s11] =	ssyncadd.s32 $0xFFFFF000  }
0x186: {  	_ =	swait.ge [sflag:s11], $0x1000  }
0x187: {  	[sflag:s11] =	ssyncset.done $0x0  }
0x188: {  	[sflag:s11] =	ssyncadd.s32 $0xFFFFF000  }
0x189: {  	_ =	swait.ge [sflag:s11], $0x1000  }
0x18a: {  	[sflag:s11] =	ssyncset.done $0x0  }
0x18b: {  	[sflag:s11] =	ssyncadd.s32 $0xFFFFF000  }
0x18c: {  	_ =	swait.ge [sflag:s11], $0x1000  }
0x18d: {  	[sflag:s11] =	ssyncset.done $0x0  }
0x18e: {  	[sflag:s11] =	ssyncadd.s32 $0xFFFFF000  }
0x18f: {  	_ =	swait.ge [sflag:s11], $0x1000  }
0x190: {  	[sflag:s11] =	ssyncset.done $0x0  }
0x191: {  	[sflag:s11] =	ssyncadd.s32 $0xFFFFF000  }
0x192: {  	_ =	swait.ge [sflag:s11], $0x1000  }
0x193: {  	[sflag:s11] =	ssyncset.done $0x0  }
0x194: {  	[sflag:s11] =	ssyncadd.s32 $0xFFFFF000  }
0x195: {  	_ =	swait.ge [sflag:s11], $0x1000  }
0x196: {  	[sflag:s11] =	ssyncset.done $0x0  }
0x197: {  	[sflag:s11] =	ssyncadd.s32 $0xFFFFF000  }
0x198: {  	_ =	swait.ge [sflag:s11], $0x1000  }
0x199: {  	[sflag:s11] =	ssyncset.done $0x0  }
0x19a: {  	[sflag:s11] =	ssyncadd.s32 $0xFFFFF000  }
0x19b: {  	_ =	swait.ge [sflag:s11], $0x1000  }
0x19c: {  	[sflag:s11] =	ssyncset.done $0x0  }
0x19d: {  	[sflag:s11] =	ssyncadd.s32 $0xFFFFF000  }
0x19e: {  	s12 =	sadd.s32 $0x1, s12;
	_ =	swait.ge [sflag:s11], $0x1000  }
0x19f: {  	p0 =	sne.s32 s12, s5;
	s31 =	rddreg [dreg:$0x3];
	[sflag:s11] =	ssyncset.done $0x0  }
.Ltmp1:
0x1a0: {  	[sflag:s11] =	ssyncadd.s32 $0xFFFFF000;
	s13 =	sadd.s32 s13, s31;
	(pc) =	sbr.rel @p0 .LBB2_1-.Ltmp1, $4  }
0x1a1: {  	[hbm4b:s13+s2] =	stream.linear.scatter [tilespmem:s8], [sflag:$0x2], $0x19000, $0x38;
	[tilespmem:$0x1F400] =	vst v63  }
0x1a2: {  	_ =	swait.ge [sflag:s6], $0x19000  }
0x1a3: {  	[sflag:s6] =	ssyncset.done $0x0  }
0x1a4: {  	[sflag:s6] =	ssyncadd.s32 $0xFFFE7000  }
0x1a5: {  	_ =	sfence.sel $0x180000  }
0x1a6: {  	[bflag:$0x0] =	sbarrier.arrive $0xFFFF  }
0x1a7: {  	p0 =	sne.s32 s0, $0x0;
	_ =	strace $0x90000047  }
0x1a8: {  	s0 =	sadd.s32 @!p0 $0x100000, s1;
	[bflag:$0x2] =	sbarrier.arrive $0xFFFF  }
0x1a9: {  	[sflag:s0] =	ssyncadd.tile.s32 @!p0 $0x1;
	_ =	shalt  }
.Lfunc_end2:
_tile_overlayer_lowered:
.L_overlay_start_2:
0x1aa: {  	(tag) =	ssettag $0x2  }
0x1ab: {  	s0 =	rddreg [dreg:$0x0];
	s2 =	stileid.u32  }
0x1ac: {  	s1 =	rddreg [dreg:$0x1];
	p0 =	sne.s32 s2, $0x0  }
0x1ad: {  	s3 =	rddreg [dreg:$0x2];
	[bflag:$0x3] =	sbarrier.arrive $0xFFFF;
	s2 =	simm.s32 @!p0 $0x1C02  }
0x1ae: {  	[timem:s3], [sflag:s2] =	dma.local @!p0 [hbm:s0], s1  }
0x1af: {  	s0 =	simm.s32 @!p0 $0x2  }
0x1b0: {  	_ =	swait.ge @!p0 [sflag:s0], s1  }
0x1b1: {  	s1 =	ssub.s32 @!p0 $0x0, s1;
	[sflag:s0] =	ssyncset.done @!p0 $0x0  }
0x1b2: {  	[sflag:s0] =	ssyncadd.s32 @!p0 s1  }
0x1b3: {  	[bflag:$0x3] =	sbarrier.arrive $0xFFFF  }
0x1b4: {  	_ =	shalt  }

// kernel: sparse-core-data-format-call.1.cloned.1.call-start
scs
called_computation.1_lowered:
.L_overlay_start_0:
0x0: {  	s2 =	sld [smem:$0x3FD9]  }
0x1: {  	s3 =	sld [smem:$0x3FFE];
	_ =	sdelay $0x1  }
0x2: {  	s1 =	srdreg.scid  }
0x3: {  	s0 =	sand.u32 $0x1, s1  }
0x4: {  	s18 =	sshll.u32 s0, $0xA;
	s2 =	sadd.s32 s3, s2  }
0x5: {  	s2 =	sadd.s32 s2, s18  }
0x6: {  	[smem:$0x3FC6] =	sst s2  }
0x7: {  	_ = 	snop  }
0x8: {  	s2 =	sld [smem:$0x3FD0];
	(tm) =	ssettm $0x1  }
0x9: {  	s19 =	sld [smem:$0x3FFB];
	_ =	sdelay $0x3  }
0xa: {  	_ =	strace s19  }
0xb: {  	s3 =	sld [smem:$0x3FFC];
	_ =	sdelay $0x3  }
0xc: {  	_ =	strace s3  }
0xd: {  	s3 =	sld [smem:$0x3FFD];
	_ =	sdelay $0x3  }
0xe: {  	_ =	strace s3  }
0xf: {  	_ =	strace $0x8FFFFFFF  }
0x10: {  	s20 =	sld [smem:$0x3FDB];
	_ =	sdelay $0x1  }
0x11: {  	s4 =	simm.s32 $_scs_section_size  }
0x12: {  	s5 =	simm.s32 $_size__tile_overlayer_lowered;
	s6 =	simm.s32 $_tile_overlayer_lowered  }
0x13: {  	s23 =	simm.s32 $0x1BFF;
	s22 =	sshll.u32 s6, $0x1;
	s3 =	sadd.s32 s4, s20  }
0x14: {  	s7 =	simm.s32 $0x0;
	s21 =	sshll.u32 s5, $0x1;
	s5 =	sadd.s32 s22, s3  }
0x15: {  	[timem:s7], [sflag:s23] =	dma.local [hbm:s5], s21  }
0x16: {  	_ =	swait.ge [sflag:s23], s21  }
0x17: {  	s4 =	ssub.s32 $0x0, s21;
	[sflag:s23] =	ssyncset.done $0x0  }
0x18: {  	[sflag:s23] =	ssyncadd.s32 s4;
	_ =	sdelay $0x1  }
0x19: {  	s24 =	simm.s32 $0x1B8B  }
0x1a: {  	_ =	swait.ge [sflag:s24], $0x1  }
0x1b: {  	[sflag:s24] =	ssyncset.done $0x0  }
0x1c: {  	s26 =	simm.s32 $0x1B8E;
	s25 =	sld [smem:$0x3FFE];
	[sflag:s24] =	ssyncadd.s32 $0xFFFFFFFF  }
0x1d: {  	s27 =	simm.s32 $execute0_lowered;
	[smem:$0x3FD2] =	sst s26  }
0x1e: {  	s5 =	sshll.u32 s27, $0x1;
	_ =	strace $0x80000049;
	[dreg:$0x1] =	wrdreg $0xFFFFFFFF  }
0x1f: {  	s28 =	simm.s32 $_size_execute0_lowered;
	s3 =	sadd.s32 s3, s5;
	[dreg:$0x0] =	wrdreg $0x0  }
0x20: {  	s5 =	sshll.u32 s28, $0x1;
	[dreg:$0x2] =	wrdreg s3  }
0x21: {  	[dreg:$0x3] =	wrdreg s5  }
0x22: {  	[dreg:$0x4] =	wrdreg $0xC0  }
0x23: {  	_ =	task [dreg:s7], $0x5FFFF  }
0x24: {  	[dreg:$0x1] =	wrdreg $0xFFFFFFFF  }
0x25: {  	[dreg:$0x0] =	wrdreg $0x60  }
0x26: {  	[dreg:$0x2] =	wrdreg s25  }
0x27: {  	[dreg:$0x3] =	wrdreg s2  }
0x28: {  	[dreg:$0x4] =	wrdreg $0x9  }
0x29: {  	_ =	task.clear_ibuf [dreg:s7], $0x5FFFF;
	_ =	strace $0x90000049  }
0x2a: {  	s29 =	simm.s32 $0x9;
	_ =	strace $0x8000004B  }
0x2b: {  	_ =	swait.ge [sflag:s29], $0x1  }
0x2c: {  	[sflag:s29] =	ssyncadd.s32 $0xFFFFFFFF  }
0x2d: {  	_ =	strace $0x9000004B  }
0x2e: {  	_ =	sfence  }
0x2f: {  	s30 =	sld [smem:$0x0];
	_ =	sdelay $0x2  }
0x30: {  	s31 =	sshll.u32 s1, $0xD;
	s1 =	sshrl.u32 s1, $0x2  }
0x31: {  	s3 =	sand.u32 $0x4000, s31;
	s1 =	sadd.s32 s1, s30  }
0x32: {  	s0 =	sor.u32 s3, s0;
	s1 =	sshll.u32 s1, $0x11  }
0x33: {  	s0 =	sor.u32 s1, s0  }
0x34: {  	s0 =	sadd.s32 $0x8F2B, s0  }
0x35: {  	[sflag:s0] =	ssyncadd.remote.s32 $0x1  }
0x36: {  	_ =	sfence.sel $0xFFFF  }
0x37: {  	[dreg:$0x0] =	wrdreg $0xFFFFFFFF;
	(pc) =	sbr.abs _section_cstart, $3  }
0x38: {  	[dreg:$0x1] =	wrdreg $0xFFFFFFFF  }
0x39: {  	_ =	task.clear_ibuf [dreg:s7], $0x2FFFF;
	_ =	strace $0x9FFFFFFF  }
0x3a: {  	(tm) =	ssettm $0x7FFFFFFF  }
0x3b: {  	_ =	shalt  }
tec
execute0_lowered:
.L_overlay_start_1:
0x0: {  	(tag) =	ssettag $0x1  }
0x1: {  	s0 =	srdreg.scid  }
0x2: {  	s5 =	rddreg [dreg:$0x0];
	s1 =	sshll.u32 s0, $0x4  }
0x3: {  	s2 =	rddreg [dreg:$0x1];
	s0 =	stileid.u32;
	s1 =	sand.u32 $0x10, s1  }
0x4: {  	s4 =	simm.s32 $0x1;
	s8 =	simm.s32 $0x2;
	s1 =	sor.u32 s0, s1  }
0x5: {  	s12 =	simm.s32 $0x0;
	s9 =	simm.s32 $0xC8000;
	s3 =	sshll.u32 s1, $0x2  }
0x6: {  	s11 =	simm.s32 $0x0;
	s5 =	sadd.s32 $0xE00, s5;
	s6 =	ssub.s32 $0x1900, s3  }
.Ltmp0:
0x7: {  	s1 =	rddreg [dreg:$0x2];
	s7 =	sand.u32 $0x7C, s6;
	(pc) =	sbr.rel .LBB1_1-.Ltmp0, $4  }
0x8: {  	_ =	strace $0x8000004A;
	p0 =	sne.s32 s7, $0x0;
	s7 =	simm.s32 $0x1  }
0x9: {  	[sflag:s4] =	ssyncpa.u1 $0x0;
	s6 =	sshrl.u32 s6, $0x7;
	s7 =	simm.s32 @!p0 $0x0  }
0xa: {  	s10 =	smov.u32 s3;
	[sflag:s8] =	ssyncpa.u1 $0x0;
	s6 =	sadd.s32 s7, s6  }
0xb: {  	s8 =	simm.s32 $0x200;
	p0 =	por $0x0, $0x0;
	s7 =	sadd.s32 $0x1, s6  }
.LBB1_7:
0xc: {  	s14 =	sadd.s32 $0x80, s10  }
0xd: {  	p2 =	sgt.s32 s14, $0x18FF  }
0xe: {  	s14 =	smov.u32 @p2 s3;
	p2 =	sne.s32 s11, s7  }
.Ltmp1:
0xf: {  	p1 =	slt.u32 s11, $0x2;
	(pc) =	sbr.rel @!p2 .LBB1_8-.Ltmp1, $4  }
0x10: {  	s13 =	simm.s32 @!p1 $0x2  }
0x11: {  	s15 =	sadd.s32 $0x1, s11;
	_ =	swait.ge @!p1 [sflag:s13], $0x4000  }
0x12: {  	s12 =	smov.u32 s10;
	p0 =	por !p0, !p0;
	[sflag:s13] =	ssyncset.done @!p1 $0x0  }
0x13: {  	s11 =	smov.u32 s15;
	s10 =	smov.u32 s14;
	[sflag:s13] =	ssyncadd.s32 @!p1 $0xFFFFC000  }
.LBB1_1:
0x14: {  	p1 =	sge.u32 s11, s6  }
0x15: {  	s31 =	sadd.s32 $0xFFFFFFFF, s11;
	s13 =	sxor.u32 @!p1 $0xFFFFFFFF, s11  }
0x16: {  	s14 =	sshll.u32 @!p1 s10, $0xB;
	s15 =	simm.s32 @!p1 $0x20;
	s13 =	sshll.u32 @!p1 s13, $0xE  }
0x17: {  	s16 =	simm.s32 @!p1 $0x80;
	s14 =	sadd.s32 @!p1 s5, s14;
	s13 =	sand.u32 @!p1 $0x4000, s13  }
0x18: {  	[tilespmem:s13], [sflag:$0x1] =	stream.strided.gather @!p1 [hbm4b:s14+s15], $0x4000, s16, s15, $0x38;
	[tilespmem:$0x10100] =	vst v63  }
0x19: {  	p1 =	sge.u32 s31, s6  }
.Ltmp2:
0x1a: {  	_ = 	snop;
	(pc) =	sbr.rel @p1 .LBB1_7-.Ltmp2, $1  }
0x1b: {  	_ =	sdelay $0x3  }
0x1c: {  	s13 =	simm.s32 $0x1;
	s15 =	sand.u32 $0x1, s11  }
0x1d: {  	_ =	swait.ge [sflag:s4], $0x4000;
	s13 =	simm.s32 @!p0 $0x0;
	s16 =	smul.u32 $0x10200, s15  }
0x1e: {  	[sflag:s4] =	ssyncset.done $0x0;
	s14 =	smul.u32 $0x10200, s13  }
0x1f: {  	s13 =	sshll.u32 s13, $0xE;
	[sflag:s4] =	ssyncadd.s32 $0xFFFFC000  }
0x20: {  	s15 =	sor.u32 $0x10, s13;
	s31 =	sshrl.u32 s16, $0x2;
	s14 =	sshrl.u32 s14, $0x2  }
0x21: {  	s16 =	simm.s32 $0x0;
	s13 =	sor.u32 $0x8000, s31;
	s14 =	sor.u32 $0x8000, s14  }
.LBB1_3:
0x22: {  	v1 =	vld [tilespmem:s15+$0x0]  }
0x23: {  	v0 =	vld [tilespmem:s15+$0xFFFFFFF0];
	_ =	sdelay $0x2  }
0x24: {  	s19 =	sadd.s32 $0x0, s14  }
0x25: {  	s17 =	simm.s32 $0x4;
	s18 =	sadd.s32 $0x20, s15;
	[tilespmem:s19+$0x2040 ss:$0x204] =	vst.msk $0xffff, v1  }
.LBB1_4:
0x26: {  	v1 =	vld [tilespmem:s18+$0x0];
	p1 =	sne.s32 s17, $0x1FC;
	[tilespmem:s19+$0x0 ss:$0x204] =	vst.msk $0xffff, v0;
	s19 =	smov.u32 s17;
	s17 =	sadd.s32 $0x4, s17  }
.Ltmp3:
0x27: {  	v0 =	vld [tilespmem:s18+$0xFFFFFFF0];
	(pc) =	sbr.rel @p1 .LBB1_4-.Ltmp3, $4  }
0x28: {  	_ = 	snop  }
0x29: {  	s19 =	sshra.s32 s19, $0x2  }
0x2a: {  	s19 =	sadd.s32 s19, s14  }
0x2b: {  	s18 =	sadd.s32 $0x20, s18;
	[tilespmem:s19+$0x2040 ss:$0x204] =	vst.msk $0xffff, v1  }
0x2c: {  	s16 =	sadd.s32 $0x1, s16  }
0x2d: {  	p1 =	sne.s32 s16, $0x4  }
.Ltmp4:
0x2e: {  	_ = 	snop;
	(pc) =	sbr.rel @p1 .LBB1_3-.Ltmp4, $2  }
0x2f: {  	_ =	sdelay $0x2  }
0x30: {  	[tilespmem:s19+$0x0 ss:$0x204] =	vst.msk $0xffff, v0;
	s14 =	sadd.s32 $0x81, s14;
	s15 =	sadd.s32 $0x1000, s15  }
0x31: {  	s12 =	sand.u32 $0x1FFFFFF, s12  }
0x32: {  	s14 =	smulhi.u32 $0x147AE15, s12;
	_ =	sdelay $0x1  }
0x33: {  	s14 =	sshrl.u32 s14, $0x5  }
0x34: {  	s14 =	smul.u32 $0x1900, s14  }
.Ltmp5:
0x35: {  	_ = 	snop;
	(pc) =	sbr.rel .LBB1_7-.Ltmp5, $4  }
0x36: {  	s12 =	ssub.s32 s12, s14  }
0x37: {  	s12 =	sshll.u32 s12, $0x4  }
0x38: {  	s12 =	sadd.s32 s2, s12  }
0x39: {  	[hbm4b:s12+s8] =	stream.strided.scatter [tilespmem:s13], [sflag:$0x2], $0x4000, s9, s8, $0x20;
	[tilespmem:$0x10100] =	vst v63  }
.LBB1_8:
0x3a: {  	_ =	sfence.sel $0x180000  }
0x3b: {  	s2 =	simm.s32 $0x1;
	[bflag:$0x0] =	sbarrier.arrive $0xFFFF  }
0x3c: {  	s31 =	simm.s32 $0x2;
	[sflag:s2] =	ssyncpa.u1 $0x1  }
0x3d: {  	[sflag:s31] =	ssyncpa.u1 $0x1  }
0x3e: {  	p0 =	sne.s32 s0, $0x0;
	_ =	strace $0x9000004A  }
0x3f: {  	s0 =	sadd.s32 @!p0 $0x100000, s1;
	[bflag:$0x2] =	sbarrier.arrive $0xFFFF  }
0x40: {  	[sflag:s0] =	ssyncadd.tile.s32 @!p0 $0x1;
	_ =	shalt  }
.Lfunc_end1:
_tile_overlayer_lowered:
.L_overlay_start_2:
0x41: {  	(tag) =	ssettag $0x2  }
0x42: {  	s0 =	rddreg [dreg:$0x0];
	s2 =	stileid.u32  }
0x43: {  	s1 =	rddreg [dreg:$0x1];
	p0 =	sne.s32 s2, $0x0  }
0x44: {  	s3 =	rddreg [dreg:$0x2];
	[bflag:$0x3] =	sbarrier.arrive $0xFFFF;
	s2 =	simm.s32 @!p0 $0x1C01  }
0x45: {  	[timem:s3], [sflag:s2] =	dma.local @!p0 [hbm:s0], s1  }
0x46: {  	s0 =	simm.s32 @!p0 $0x1  }
0x47: {  	_ =	swait.ge @!p0 [sflag:s0], s1  }
0x48: {  	s1 =	ssub.s32 @!p0 $0x0, s1;
	[sflag:s0] =	ssyncset.done @!p0 $0x0  }
0x49: {  	[sflag:s0] =	ssyncadd.s32 @!p0 s1  }
0x4a: {  	[bflag:$0x3] =	sbarrier.arrive $0xFFFF  }
0x4b: {  	_ =	shalt  }

// kernel: sparse-core-data-format-call.cloned.1.call-start
scs
called_computation_lowered:
.L_overlay_start_0:
0x0: {  	s2 =	sld [smem:$0x3FD9]  }
0x1: {  	s3 =	sld [smem:$0x3FFE];
	_ =	sdelay $0x1  }
0x2: {  	s1 =	srdreg.scid  }
0x3: {  	s0 =	sand.u32 $0x1, s1  }
0x4: {  	s18 =	sshll.u32 s0, $0xA;
	s2 =	sadd.s32 s3, s2  }
0x5: {  	s2 =	sadd.s32 s2, s18  }
0x6: {  	[smem:$0x3FC6] =	sst s2  }
0x7: {  	_ = 	snop  }
0x8: {  	s2 =	sld [smem:$0x3FD0];
	(tm) =	ssettm $0x1  }
0x9: {  	s19 =	sld [smem:$0x3FFB];
	_ =	sdelay $0x3  }
0xa: {  	_ =	strace s19  }
0xb: {  	s3 =	sld [smem:$0x3FFC];
	_ =	sdelay $0x3  }
0xc: {  	_ =	strace s3  }
0xd: {  	s3 =	sld [smem:$0x3FFD];
	_ =	sdelay $0x3  }
0xe: {  	_ =	strace s3  }
0xf: {  	_ =	strace $0x8FFFFFFF  }
0x10: {  	s20 =	sld [smem:$0x3FDB];
	_ =	sdelay $0x1  }
0x11: {  	s4 =	simm.s32 $_scs_section_size  }
0x12: {  	s5 =	simm.s32 $_size__tile_overlayer_lowered;
	s6 =	simm.s32 $_tile_overlayer_lowered  }
0x13: {  	s23 =	simm.s32 $0x1BFF;
	s22 =	sshll.u32 s6, $0x1;
	s3 =	sadd.s32 s4, s20  }
0x14: {  	s7 =	simm.s32 $0x0;
	s21 =	sshll.u32 s5, $0x1;
	s5 =	sadd.s32 s22, s3  }
0x15: {  	[timem:s7], [sflag:s23] =	dma.local [hbm:s5], s21  }
0x16: {  	_ =	swait.ge [sflag:s23], s21  }
0x17: {  	s4 =	ssub.s32 $0x0, s21;
	[sflag:s23] =	ssyncset.done $0x0  }
0x18: {  	[sflag:s23] =	ssyncadd.s32 s4;
	_ =	sdelay $0x1  }
0x19: {  	s24 =	simm.s32 $0x1B8B  }
0x1a: {  	_ =	swait.ge [sflag:s24], $0x1  }
0x1b: {  	[sflag:s24] =	ssyncset.done $0x0  }
0x1c: {  	s26 =	simm.s32 $0x1B8E;
	s25 =	sld [smem:$0x3FFE];
	[sflag:s24] =	ssyncadd.s32 $0xFFFFFFFF  }
0x1d: {  	s27 =	simm.s32 $execute0_lowered;
	[smem:$0x3FD2] =	sst s26  }
0x1e: {  	s5 =	sshll.u32 s27, $0x1;
	_ =	strace $0x8000004C;
	[dreg:$0x1] =	wrdreg $0xFFFFFFFF  }
0x1f: {  	s28 =	simm.s32 $_size_execute0_lowered;
	s3 =	sadd.s32 s3, s5;
	[dreg:$0x0] =	wrdreg $0x0  }
0x20: {  	s5 =	sshll.u32 s28, $0x1;
	[dreg:$0x2] =	wrdreg s3  }
0x21: {  	[dreg:$0x3] =	wrdreg s5  }
0x22: {  	[dreg:$0x4] =	wrdreg $0xC0  }
0x23: {  	_ =	task [dreg:s7], $0x5FFFF  }
0x24: {  	[dreg:$0x1] =	wrdreg $0xFFFFFFFF  }
0x25: {  	[dreg:$0x0] =	wrdreg $0x60  }
0x26: {  	[dreg:$0x2] =	wrdreg s25  }
0x27: {  	[dreg:$0x3] =	wrdreg s2  }
0x28: {  	[dreg:$0x4] =	wrdreg $0x9  }
0x29: {  	_ =	task.clear_ibuf [dreg:s7], $0x5FFFF;
	_ =	strace $0x9000004C  }
0x2a: {  	s29 =	simm.s32 $0x9;
	_ =	strace $0x8000004E  }
0x2b: {  	_ =	swait.ge [sflag:s29], $0x1  }
0x2c: {  	[sflag:s29] =	ssyncadd.s32 $0xFFFFFFFF  }
0x2d: {  	_ =	strace $0x9000004E  }
0x2e: {  	_ =	sfence  }
0x2f: {  	s30 =	sld [smem:$0x0];
	_ =	sdelay $0x2  }
0x30: {  	s31 =	sshll.u32 s1, $0xD;
	s1 =	sshrl.u32 s1, $0x2  }
0x31: {  	s3 =	sand.u32 $0x4000, s31;
	s1 =	sadd.s32 s1, s30  }
0x32: {  	s0 =	sor.u32 s3, s0;
	s1 =	sshll.u32 s1, $0x11  }
0x33: {  	s0 =	sor.u32 s1, s0  }
0x34: {  	s0 =	sadd.s32 $0x8F2B, s0  }
0x35: {  	[sflag:s0] =	ssyncadd.remote.s32 $0x1  }
0x36: {  	_ =	sfence.sel $0xFFFF  }
0x37: {  	[dreg:$0x0] =	wrdreg $0xFFFFFFFF;
	(pc) =	sbr.abs _section_cstart, $3  }
0x38: {  	[dreg:$0x1] =	wrdreg $0xFFFFFFFF  }
0x39: {  	_ =	task.clear_ibuf [dreg:s7], $0x2FFFF;
	_ =	strace $0x9FFFFFFF  }
0x3a: {  	(tm) =	ssettm $0x7FFFFFFF  }
0x3b: {  	_ =	shalt  }
tec
execute0_lowered:
.L_overlay_start_1:
0x0: {  	(tag) =	ssettag $0x1  }
0x1: {  	s8 =	rddreg [dreg:$0x0]  }
0x2: {  	s2 =	rddreg [dreg:$0x1];
	s1 =	stileid.u32  }
0x3: {  	s4 =	srdreg.scid;
	s0 =	rddreg [dreg:$0x2];
	_ =	strace $0x8000004D  }
0x4: {  	s9 =	simm.s32 $0x1;
	s31 =	simm.s32 $0x2;
	s16 =	simm.s32 $0x0  }
0x5: {  	s17 =	simm.s32 $0x0;
	s11 =	simm.s32 $0x0;
	s12 =	simm.s32 $0x0  }
0x6: {  	s15 =	simm.s32 $0x0;
	s3 =	sshll.u32 s1, $0x1;
	s4 =	sshll.u32 s4, $0x7  }
0x7: {  	s4 =	sand.u32 $0x80, s4;
	s5 =	ssub.s32 $0x20, s3;
	s14 =	smov.u32 s3  }
0x8: {  	s6 =	sshrl.u32 s5, $0x5;
	s5 =	sand.u32 $0x1E, s5;
	s7 =	ssub.s32 $0x4000, s4  }
0x9: {  	p0 =	sne.s32 s5, $0x0;
	s30 =	sshrl.u32 s7, $0x7;
	s7 =	sshrl.u32 s7, $0x8  }
.Ltmp0:
0xa: {  	s9 =	simm.s32 @!p0 $0x0;
	s10 =	sand.u32 $0x1, s30;
	(pc) =	sbr.rel .LBB1_1-.Ltmp0, $4  }
0xb: {  	s5 =	simm.s32 $0x1;
	s6 =	sadd.s32 s9, s6;
	s7 =	sadd.s32 s7, s10  }
0xc: {  	s13 =	smov.u32 s4;
	[sflag:s5] =	ssyncpa.u1 $0x0;
	s6 =	smul.u32 s6, s7  }
0xd: {  	p0 =	por $0x0, $0x0;
	[sflag:s31] =	ssyncpa.u1 $0x0;
	s10 =	simm.s32 $0x80000  }
0xe: {  	s7 =	sadd.s32 $0xE00, s8;
	s8 =	sadd.s32 $0x40E00, s8;
	s9 =	sadd.s32 $0x1, s6  }
.LBB1_7:
0xf: {  	p1 =	slt.u32 s15, $0x2  }
0x10: {  	s19 =	smov.u32 s17;
	p2 =	sgt.s32 @!p1 s17, $0x1E;
	s18 =	sshra.s32 @!p1 s17, $0x1F  }
0x11: {  	p3 =	sgt.s32 @!p1 s16, $0x3F80;
	s20 =	sshra.s32 @!p1 s16, $0x1F;
	p2 =	por !p2, p1  }
0x12: {  	s17 =	sand.u32 @!p1 s18, s17;
	p3 =	por !p3, p1;
	s18 =	smov.u32 s16  }
0x13: {  	s16 =	sand.u32 @!p1 s20, s16;
	s19 =	simm.s32 @p2 $0x1E;
	s18 =	simm.s32 @p3 $0x3F80  }
0x14: {  	s20 =	smov.u32 s14;
	s17 =	ssub.s32 @!p1 s19, s17;
	s16 =	ssub.s32 @!p1 s18, s16  }
0x15: {  	s18 =	sadd.s32 @!p1 $0xFFFFFFE2, s17;
	s17 =	ssub.s32 @!p1 $0x20, s17;
	s19 =	sadd.s32 @!p1 $0xFFFFC080, s16  }
0x16: {  	p2 =	sgt.s32 @!p1 s18, $0x1;
	s17 =	smul.u32 @!p1 $0x32, s17;
	p3 =	sgt.s32 @!p1 s19, $0x7F  }
0x17: {  	s16 =	ssub.s32 @!p1 $0x4000, s16;
	p2 =	por !p2, p1;
	p3 =	por !p3, p1  }
0x18: {  	s18 =	sadd.s32 $0x100, s13;
	s17 =	simm.s32 @!p2 $0x0;
	s16 =	simm.s32 @!p3 $0x0  }
0x19: {  	p2 =	sgt.s32 s18, $0x3FFF;
	s16 =	smul.u32 @!p1 s16, s17;
	s17 =	sadd.s32 $0x20, s14  }
0x1a: {  	s20 =	smov.u32 @p2 s17  }
0x1b: {  	s18 =	smov.u32 @p2 s4;
	p2 =	sgt.s32 s20, $0x1F  }
0x1c: {  	s20 =	smov.u32 @p2 s3;
	p2 =	sne.s32 s15, s9  }
.Ltmp1:
0x1d: {  	p0 =	por !p0, !p0;
	s19 =	simm.s32 @!p1 $0x2;
	(pc) =	sbr.rel @!p2 .LBB1_8-.Ltmp1, $4  }
0x1e: {  	s17 =	smov.u32 s12;
	s12 =	smov.u32 s14;
	s16 =	sand.u32 @!p1 $0x3FFFFFFE, s16  }
0x1f: {  	_ =	swait.ge @!p1 [sflag:s19], s16;
	s21 =	ssub.s32 @!p1 $0x0, s16;
	s16 =	smov.u32 s11  }
0x20: {  	s15 =	sadd.s32 $0x1, s15;
	s11 =	smov.u32 s13;
	[sflag:s19] =	ssyncset.done @!p1 $0x0  }
0x21: {  	s13 =	smov.u32 s18;
	s14 =	smov.u32 s20;
	[sflag:s19] =	ssyncadd.s32 @!p1 s21  }
.LBB1_1:
0x22: {  	p1 =	sge.u32 s15, s6  }
0x23: {  	s18 =	sxor.u32 @!p1 $0xFFFFFFFF, s15;
	s19 =	sshll.u32 @!p1 s14, $0x12  }
0x24: {  	s20 =	sshll.u32 @!p1 s13, $0x4;
	s22 =	simm.s32 @!p1 $0x40;
	s23 =	simm.s32 @!p1 $0x80  }
0x25: {  	s18 =	sshll.u32 @!p1 s18, $0xE;
	s20 =	sand.u32 @!p1 $0x3FFF0, s20;
	s21 =	sadd.s32 @!p1 s7, s19  }
0x26: {  	s19 =	sadd.s32 @!p1 s19, s8;
	s18 =	sand.u32 @!p1 $0x4000, s18;
	s21 =	sadd.s32 @!p1 s20, s21  }
0x27: {  	[tilespmem:s18], [sflag:$0x1] =	stream.strided.gather @!p1 [hbm4b:s21+s22], $0x2000, s23, s22, $0x38;
	[tilespmem:$0x10100] =	vst v63  }
0x28: {  	s31 =	sadd.s32 $0xFFFFFFFF, s15;
	s19 =	sadd.s32 @!p1 s20, s19;
	s18 =	sor.u32 @!p1 $0x2000, s18  }
0x29: {  	[tilespmem:s18], [sflag:$0x1] =	stream.strided.gather @!p1 [hbm4b:s19+s22], $0x2000, s23, s22, $0x38;
	[tilespmem:$0x10100] =	vst v63  }
0x2a: {  	p1 =	sge.u32 s31, s6  }
.Ltmp2:
0x2b: {  	_ = 	snop;
	(pc) =	sbr.rel @p1 .LBB1_7-.Ltmp2, $1  }
0x2c: {  	_ =	sdelay $0x3  }
0x2d: {  	s18 =	simm.s32 $0x1;
	s20 =	sand.u32 $0x1, s15  }
0x2e: {  	_ =	swait.ge [sflag:s5], $0x4000;
	s18 =	simm.s32 @!p0 $0x0;
	s20 =	smul.u32 $0x10200, s20  }
0x2f: {  	p2 =	por $0x1, $0x1;
	[sflag:s5] =	ssyncset.done $0x0;
	s19 =	smul.u32 $0x10200, s18  }
0x30: {  	s21 =	sshll.u32 s18, $0x10;
	[sflag:s5] =	ssyncadd.s32 $0xFFFFC000;
	s30 =	sshrl.u32 s20, $0x2  }
0x31: {  	s31 =	sshrl.u32 s21, $0x2;
	s21 =	simm.s32 $0x0;
	s19 =	sshrl.u32 s19, $0x2  }
0x32: {  	s18 =	sor.u32 $0x8000, s30;
	s20 =	sadd.s32 $0x20, s31;
	s19 =	sor.u32 $0x8000, s19  }
.LBB1_3:
0x33: {  	s22 =	sshll.u32 s21, $0xD  }
0x34: {  	s22 =	sand.u32 $0x3FFFE000, s22  }
0x35: {  	s24 =	sadd.s32 s22, s20  }
0x36: {  	s31 =	smul.u32 $0x204, s21;
	v3 =	vld [tilespmem:s24+$0x10]  }
0x37: {  	v1 =	vld [tilespmem:s24+$0xFFFFFFF0]  }
0x38: {  	s21 =	sshra.s32 s31, $0x2;
	v0 =	vld [tilespmem:s24+$0x0]  }
0x39: {  	s21 =	sadd.s32 s21, s19;
	v2 =	vld [tilespmem:s24+$0xFFFFFFE0]  }
0x3a: {  	s22 =	sadd.s32 $0x0, s21  }
0x3b: {  	p1 =	por p2, p2;
	s23 =	simm.s32 $0x4;
	s24 =	sadd.s32 $0x40, s24;
	[tilespmem:s22+$0x3060 ss:$0x102] =	vst.msk $0xffff, v3  }
.LBB1_4:
0x3c: {  	v3 =	vld [tilespmem:s24+$0x10];
	p2 =	sne.s32 s23, $0x1FC;
	[tilespmem:s22+$0x1020 ss:$0x102] =	vst.msk $0xffff, v1;
	s25 =	smov.u32 s23;
	s23 =	sadd.s32 $0x4, s23  }
.Ltmp3:
0x3d: {  	v1 =	vld [tilespmem:s24+$0xFFFFFFF0];
	[tilespmem:s22+$0x2040 ss:$0x102] =	vst.msk $0xffff, v0;
	(pc) =	sbr.rel @p2 .LBB1_4-.Ltmp3, $4  }
0x3e: {  	v0 =	vld [tilespmem:s24+$0x0];
	[tilespmem:s22+$0x0 ss:$0x102] =	vst.msk $0xffff, v2  }
0x3f: {  	s22 =	sshra.s32 s25, $0x2;
	v2 =	vld [tilespmem:s24+$0xFFFFFFE0]  }
0x40: {  	s22 =	sadd.s32 s22, s21  }
0x41: {  	s24 =	sadd.s32 $0x40, s24;
	[tilespmem:s22+$0x3060 ss:$0x102] =	vst.msk $0xffff, v3  }
.Ltmp4:
0x42: {  	(pc) =	sbr.rel @p1 .LBB1_3-.Ltmp4, $4  }
0x43: {  	_ = 	snop  }
0x44: {  	[tilespmem:s22+$0x1020 ss:$0x102] =	vst.msk $0xffff, v1  }
0x45: {  	[tilespmem:s22+$0x2040 ss:$0x102] =	vst.msk $0xffff, v0  }
0x46: {  	s21 =	simm.s32 $0x1;
	p2 =	por $0x0, $0x0;
	[tilespmem:s22+$0x0 ss:$0x102] =	vst.msk $0xffff, v2  }
0x47: {  	s19 =	sand.u32 $0x78, s11;
	p1 =	sgt.s32 s12, $0x1E;
	s20 =	smov.u32 s12  }
0x48: {  	s21 =	sshra.s32 s12, $0x1F;
	s22 =	sshll.u32 s12, $0xE;
	s23 =	sshll.u32 s11, $0x3  }
0x49: {  	s30 =	sshra.s32 s11, $0x1F;
	s25 =	sshll.u32 s12, $0x7;
	s20 =	simm.s32 @!p1 $0x1E  }
0x4a: {  	s21 =	sand.u32 s21, s12;
	s22 =	sand.u32 $0x60000, s22;
	p1 =	sgt.s32 s11, $0x3F80  }
0x4b: {  	s25 =	sand.u32 $0x380, s25;
	s20 =	ssub.s32 s20, s21;
	s21 =	smov.u32 s11  }
0x4c: {  	s22 =	sadd.s32 s22, s23;
	s24 =	sadd.s32 $0xFFFFFFE2, s20;
	s21 =	simm.s32 @!p1 $0x3F80  }
0x4d: {  	s20 =	ssub.s32 $0x20, s20;
	p1 =	sgt.s32 s24, $0x1;
	s24 =	sand.u32 s30, s11  }
0x4e: {  	s23 =	sand.u32 $0x3C00, s23;
	s20 =	smul.u32 $0x32, s20;
	s21 =	ssub.s32 s21, s24  }
0x4f: {  	s19 =	sor.u32 s25, s19;
	s22 =	sand.u32 $0x7C000, s22;
	s24 =	sadd.s32 $0xFFFFC080, s21  }
0x50: {  	s20 =	simm.s32 @p1 $0x0;
	s21 =	ssub.s32 $0x4000, s21;
	p1 =	sgt.s32 s24, $0x7F  }
.Ltmp5:
0x51: {  	s19 =	sor.u32 s23, s19;
	s21 =	simm.s32 @p1 $0x0;
	(pc) =	sbr.rel .LBB1_7-.Ltmp5, $4  }
0x52: {  	s31 =	sand.u32 $0x7, s11;
	s19 =	sor.u32 s22, s19;
	s20 =	smul.u32 s21, s20  }
0x53: {  	s19 =	sshrl.u32 s19, $0x3;
	s21 =	sshll.u32 s31, $0x12  }
0x54: {  	s19 =	sadd.s32 s2, s19;
	s21 =	sor.u32 $0x100, s21;
	s20 =	sand.u32 $0x3FFFFFFE, s20  }
0x55: {  	[hbm4b:s19+s21] =	stream.strided.scatter [tilespmem:s18], [sflag:$0x2], s20, s10, s21, $0x20;
	[tilespmem:$0x10100] =	vst v63  }
.LBB1_8:
0x56: {  	_ =	sfence.sel $0x180000  }
0x57: {  	s2 =	simm.s32 $0x1;
	[bflag:$0x0] =	sbarrier.arrive $0xFFFF  }
0x58: {  	s31 =	simm.s32 $0x2;
	[sflag:s2] =	ssyncpa.u1 $0x1  }
0x59: {  	[sflag:s31] =	ssyncpa.u1 $0x1  }
0x5a: {  	p0 =	sne.s32 s1, $0x0;
	_ =	strace $0x9000004D  }
0x5b: {  	s0 =	sadd.s32 @!p0 $0x100000, s0;
	[bflag:$0x2] =	sbarrier.arrive $0xFFFF  }
0x5c: {  	[sflag:s0] =	ssyncadd.tile.s32 @!p0 $0x1;
	_ =	shalt  }
.Lfunc_end1:
_tile_overlayer_lowered:
.L_overlay_start_2:
0x5d: {  	(tag) =	ssettag $0x2  }
0x5e: {  	s0 =	rddreg [dreg:$0x0];
	s2 =	stileid.u32  }
0x5f: {  	s1 =	rddreg [dreg:$0x1];
	p0 =	sne.s32 s2, $0x0  }
0x60: {  	s3 =	rddreg [dreg:$0x2];
	[bflag:$0x3] =	sbarrier.arrive $0xFFFF;
	s2 =	simm.s32 @!p0 $0x1C01  }
0x61: {  	[timem:s3], [sflag:s2] =	dma.local @!p0 [hbm:s0], s1  }
0x62: {  	s0 =	simm.s32 @!p0 $0x1  }
0x63: {  	_ =	swait.ge @!p0 [sflag:s0], s1  }
0x64: {  	s1 =	ssub.s32 @!p0 $0x0, s1;
	[sflag:s0] =	ssyncset.done @!p0 $0x0  }
0x65: {  	[sflag:s0] =	ssyncadd.s32 @!p0 s1  }
0x66: {  	[bflag:$0x3] =	sbarrier.arrive $0xFFFF  }
0x67: {  	_ =	shalt  }

</sc_bundles>
